<compile_context>
chip_gen: v7x
topology: tpu7x:2x2x1
jax: 0.10.2.dev20260603
libtpu: 0.0.44.dev20260713+nightly
codegen_flags: <defaults>
</compile_context>

<pallas_src>
import functools

import jax
import jax.numpy as jnp
from jax import lax
from jax.experimental import pallas as pl
from jax.experimental.pallas import tpu as pltpu
from jax.experimental.pallas import tpu_sc as plsc

N = 10000
D = 128
O = 128
E = 160000
ALPHA = 0.2

NC = 2
NS = 16
LANES = 16
EPT16 = E // NS
FPS = 8
NH = N // 2
ECH = 3072
NCHUNK = E // ECH
ETAIL = E - NCHUNK * ECH
BROWS = 1000


def _prologue_body(x_ref, w_ref, a1_ref, a2_ref, h_ref, wh1_ref,
                   wh2_ref, s_ref):
    i = pl.program_id(0)
    xb = x_ref[...]
    hb = jnp.dot(xb, w_ref[...], preferred_element_type=jnp.float32)
    h_ref[...] = hb
    wh1_ref[...] = jnp.sum(hb * a1_ref[...], axis=1, keepdims=True)
    wh2_ref[...] = jnp.sum(hb * a2_ref[...], axis=1, keepdims=True)

    @pl.when(i == 0)
    def _():
        s_ref[...] = jnp.zeros_like(s_ref)

    s_ref[...] += jnp.sum(hb, axis=0, keepdims=True)


@functools.cache
def _prologue():
    return pl.pallas_call(
        _prologue_body,
        grid=(N // BROWS,),
        in_specs=[
            pl.BlockSpec((BROWS, D), lambda i: (i, 0)),
            pl.BlockSpec((D, O), lambda i: (0, 0)),
            pl.BlockSpec((1, O), lambda i: (0, 0)),
            pl.BlockSpec((1, O), lambda i: (0, 0)),
        ],
        out_specs=[
            pl.BlockSpec((BROWS, O), lambda i: (i, 0)),
            pl.BlockSpec((BROWS, 1), lambda i: (i, 0)),
            pl.BlockSpec((BROWS, 1), lambda i: (i, 0)),
            pl.BlockSpec((1, O), lambda i: (0, 0)),
        ],
        out_shape=[
            jax.ShapeDtypeStruct((N, O), jnp.float32),
            jax.ShapeDtypeStruct((N, 1), jnp.float32),
            jax.ShapeDtypeStruct((N, 1), jnp.float32),
            jax.ShapeDtypeStruct((1, O), jnp.float32),
        ],
    )


def _edge_kernel_body(src_hbm, dst_hbm, wh1_hbm, wh2_hbm,
                      w_hbm, zpart_hbm,
                      srcv, dstv, wh1v, wh2v, wv):
    cid = lax.axis_index("c")
    sid = lax.axis_index("s")
    base = sid * EPT16

    pltpu.sync_copy(wh1_hbm, wh1v)
    pltpu.sync_copy(wh2_hbm, wh2v)
    pltpu.sync_copy(src_hbm.at[pl.ds(base, EPT16)], srcv)
    pltpu.sync_copy(dst_hbm.at[pl.ds(base, EPT16)], dstv)

    @pl.when(cid != 0)
    def _w_path():

        @pl.loop(0, EPT16, step=LANES)
        def _(j):
            s = srcv[pl.ds(j, LANES)]
            d = dstv[pl.ds(j, LANES)]
            v = plsc.load_gather(wh1v, [s]) + plsc.load_gather(wh2v, [d])
            v = jnp.maximum(v, ALPHA * v)
            wv[pl.ds(j, LANES)] = jnp.exp(v) - 1.0

        pltpu.sync_copy(wv, w_hbm.at[pl.ds(base, EPT16)])

    @pl.when(cid == 0)
    def _z_path():
        @pl.loop(0, N, step=LANES)
        def _(j):
            wv[pl.ds(j, LANES)] = jnp.zeros((LANES,), jnp.float32)

        @pl.loop(0, EPT16, step=LANES)
        def _(j):
            s = srcv[pl.ds(j, LANES)]
            d = dstv[pl.ds(j, LANES)]
            v = plsc.load_gather(wh1v, [s]) + plsc.load_gather(wh2v, [d])
            v = jnp.maximum(v, ALPHA * v)
            plsc.addupdate_scatter(wv, [s], jnp.exp(v) - 1.0)

        pltpu.sync_copy(wv, zpart_hbm.at[sid])


@functools.cache
def _edge_kernel():
    mesh = plsc.VectorSubcoreMesh(
        core_axis_name="c", subcore_axis_name="s",
        num_cores=NC, num_subcores=NS)
    return pl.kernel(
        _edge_kernel_body,
        out_type=(
            jax.ShapeDtypeStruct((E,), jnp.float32),
            jax.ShapeDtypeStruct((NS, N), jnp.float32),
        ),
        mesh=mesh,
        compiler_params=pltpu.CompilerParams(needs_layout_passes=False),
        scratch_types=[
            pltpu.VMEM((EPT16,), jnp.int32),
            pltpu.VMEM((EPT16,), jnp.int32),
            pltpu.VMEM((N,), jnp.float32),
            pltpu.VMEM((N,), jnp.float32),
            pltpu.VMEM((EPT16,), jnp.float32),
        ],
    )


def _agg_kernel_body(ht_hbm, src_hbm, dst_hbm, w_hbm,
                     pt_out,
                     slab, acc, se, de, we):
    cid = lax.axis_index("c")
    sid = lax.axis_index("s")
    g = cid * NS + sid
    m = g % NS
    q = g // NS
    sb = q * NH

    pltpu.sync_copy(ht_hbm.at[pl.ds(m * FPS, FPS)], slab)

    for f in range(FPS):
        @pl.loop(0, NH, step=LANES)
        def _(j):
            acc[f, pl.ds(j, LANES)] = jnp.zeros((LANES,), jnp.float32)

    def _scan_chunk(off, size):
        pltpu.sync_copy(src_hbm.at[pl.ds(off, size)], se.at[pl.ds(0, size)])
        pltpu.sync_copy(dst_hbm.at[pl.ds(off, size)], de.at[pl.ds(0, size)])
        pltpu.sync_copy(w_hbm.at[pl.ds(off, size)], we.at[pl.ds(0, size)])

        @pl.loop(0, size, step=LANES)
        def _(j):
            s = se[pl.ds(j, LANES)]
            d = de[pl.ds(j, LANES)]
            wv = we[pl.ds(j, LANES)]
            sloc = s - sb
            mask = (s >= sb) & (sloc < NH)
            for f in range(FPS):
                frow = jnp.zeros((LANES,), jnp.int32) + f
                hval = plsc.load_gather(slab, [frow, d])
                plsc.addupdate_scatter(acc, [frow, sloc], hval * wv,
                                       mask=mask)

    @pl.loop(0, NCHUNK)
    def _(c):
        _scan_chunk(c * ECH, ECH)

    _scan_chunk(NCHUNK * ECH, ETAIL)

    pltpu.sync_copy(acc, pt_out.at[q, pl.ds(m * FPS, FPS)])


@functools.cache
def _agg_kernel():
    mesh = plsc.VectorSubcoreMesh(
        core_axis_name="c", subcore_axis_name="s",
        num_cores=NC, num_subcores=NS)
    return pl.kernel(
        _agg_kernel_body,
        out_type=jax.ShapeDtypeStruct((2, O, NH), jnp.float32),
        mesh=mesh,
        compiler_params=pltpu.CompilerParams(needs_layout_passes=False),
        scratch_types=[
            pltpu.VMEM((FPS, N), jnp.float32),
            pltpu.VMEM((FPS, NH), jnp.float32),
            pltpu.VMEM((ECH,), jnp.int32),
            pltpu.VMEM((ECH,), jnp.int32),
            pltpu.VMEM((ECH,), jnp.float32),
        ],
    )


def _epilogue_body(p_ref, zp_ref, s_ref, b_ref, o_ref):
    p = p_ref[...]
    z = jnp.sum(zp_ref[...], axis=1, keepdims=True) + jnp.float32(N)
    t = (p + s_ref[...]) / z
    t = jnp.maximum(t, ALPHA * t)
    nrm = jnp.maximum(jnp.sqrt(jnp.sum(t * t, axis=1, keepdims=True)),
                      jnp.float32(1e-12))
    o_ref[...] = t / nrm + b_ref[...]


@functools.cache
def _epilogue():
    return pl.pallas_call(
        _epilogue_body,
        grid=(N // BROWS,),
        in_specs=[
            pl.BlockSpec((BROWS, O), lambda i: (i, 0)),
            pl.BlockSpec((BROWS, NS), lambda i: (i, 0)),
            pl.BlockSpec((1, O), lambda i: (0, 0)),
            pl.BlockSpec((1, O), lambda i: (0, 0)),
        ],
        out_specs=pl.BlockSpec((BROWS, O), lambda i: (i, 0)),
        out_shape=jax.ShapeDtypeStruct((N, O), jnp.float32),
    )


def kernel(x, adj, weight, a, bias):
    a1 = a[:O, 0].reshape(1, O)
    a2 = a[O:, 0].reshape(1, O)
    h, wh1, wh2, s = _prologue()(x, weight, a1, a2)
    src = adj[0]
    dst = adj[1]
    w, zpart = _edge_kernel()(src, dst, wh1.reshape(N), wh2.reshape(N))
    ht = h.T
    pt = _agg_kernel()(ht, src, dst, w)
    p = jnp.concatenate([pt[0].T, pt[1].T], axis=0)
    return _epilogue()(p, zpart.T, s, bias.reshape(1, O))

# --- scband reference (transcript-rebuilt; emitter-appended) ---
"""Pipeline reference for scband-attention-layer-4475355922565 (READ-ONLY COPY).

The authoritative reference and input builder live on the scoring server;
editing this copy changes nothing except your own understanding.
"""

import jax, jax.numpy as jnp
import numpy as np

N = 10000
D = 128
O = 128
E = 160000
ALPHA = 0.2


def setup_inputs(seed: int = 0) -> dict:
    key = jax.random.key(seed)
    k1, k2, k3, k4 = jax.random.split(key, 4)
    x = jax.random.normal(k1, (N, D), dtype=jnp.float32)
    adj = jax.random.randint(k2, (2, E), 0, N, dtype=jnp.int32)
    # kaiming_uniform_ for leaky_relu(a=0.2): bound = sqrt(6 / ((1 + a^2) * fan_in))
    gain_w = np.sqrt(6.0 / ((1.0 + ALPHA ** 2) * D))
    weight = jax.random.uniform(k3, (D, O), jnp.float32, -gain_w, gain_w)
    gain_a = np.sqrt(6.0 / ((1.0 + ALPHA ** 2) * (2 * O)))
    a = jax.random.uniform(k4, (2 * O, 1), jnp.float32, -gain_a, gain_a)
    bias = jnp.zeros((O,), dtype=jnp.float32)
    return {"x": x, "adj": adj, "weight": weight, "a": a, "bias": bias}


def reference(x, adj, weight, a, bias):
    h = x @ weight                                   # [N, O]
    Wh1 = (h @ a[:O, :])[:, 0]                        # [N]
    Wh2 = (h @ a[O:, :])[:, 0]                        # [N]
    src, dst = adj[0], adj[1]
    # e[i, j] = leaky_relu(Wh1[i] + Wh2[j]); gather only at edge positions
    e_vals = jax.nn.leaky_relu(Wh1[src] + Wh2[dst], negative_slope=ALPHA)  # [E]
    # sparse.to_dense(): zeros everywhere except edge positions
    dense_e = jnp.zeros((N, N), dtype=jnp.float32).at[src, dst].set(e_vals)
    attention = jax.nn.softmax(dense_e, axis=1)       # softmax over dense rows (incl. zeros), faithful to original
    # dropout is identity in eval mode (training=False)
    out = attention @ h                               # [N, O]
    out = jax.nn.leaky_relu(out, negative_slope=ALPHA)
    norm = jnp.maximum(jnp.linalg.norm(out, axis=1, keepdims=True), 1e-12)
    out = out / norm                                  # F.normalize(p=2, dim=1)
    out = out + bias
    return out

if __name__ == "__main__":
    import jax
    _d = setup_inputs()
    print(jax.jit(kernel)(*tuple(_d.values())))

</pallas_src>

<mosaic_0001>
#map = affine_map<(d0, d1) -> (0)>
#map1 = affine_map<(d0, d1) -> (0, 0)>
module attributes {stable_mosaic.version = 14 : i64} {
  func.func @_edge_kernel_body(%arg0: i32, %arg1: i32, %arg2: memref<160000xi32, #tpu.memory_space<hbm>>, %arg3: memref<160000xi32, #tpu.memory_space<hbm>>, %arg4: memref<10000xf32, #tpu.memory_space<hbm>>, %arg5: memref<10000xf32, #tpu.memory_space<hbm>>, %arg6: memref<160000xf32, #tpu.memory_space<hbm>>, %arg7: memref<16x10000xf32, #tpu.memory_space<hbm>>, %arg8: memref<10000xi32, #tpu.memory_space<vmem>>, %arg9: memref<10000xi32, #tpu.memory_space<vmem>>, %arg10: memref<10000xf32, #tpu.memory_space<vmem>>, %arg11: memref<10000xf32, #tpu.memory_space<vmem>>, %arg12: memref<10000xf32, #tpu.memory_space<vmem>>) attributes {dimension_semantics = [#tpu.dimension_semantics<core_parallel>, #tpu.dimension_semantics<subcore_parallel>], iteration_bounds = array<i64: 2, 16>, scalar_prefetch = 0 : i64, scratch_operands = 5 : i64, tpu.core_type = #tpu.core_type<sc_vector_subcore>, window_params = [{transform_indices = #map}, {transform_indices = #map}, {transform_indices = #map}, {transform_indices = #map}, {transform_indices = #map}, {transform_indices = #map1}]} {
    %mul3A = arith.constant 10000 : i32
    %mul3A_0 = arith.muli %arg1, %mul3A : i32
    "tpu.region"() ({
      %run_scoped3A = tpu.sem_alloc : memref<!tpu.dma_semaphore, #tpu.memory_space<semaphore_mem>>
      tpu.enqueue_dma source(%arg4 : memref<10000xf32, #tpu.memory_space<hbm>>) target(%arg10 : memref<10000xf32, #tpu.memory_space<vmem>>) target_semaphore(%run_scoped3A : memref<!tpu.dma_semaphore, #tpu.memory_space<semaphore_mem>>)
      tpu.wait_dma2 semaphore(%run_scoped3A : memref<!tpu.dma_semaphore, #tpu.memory_space<semaphore_mem>>) src(%arg4 : memref<10000xf32, #tpu.memory_space<hbm>>) dst(%arg10 : memref<10000xf32, #tpu.memory_space<vmem>>)
      tpu.yield
    }) : () -> ()
    "tpu.region"() ({
      %run_scoped3A = tpu.sem_alloc : memref<!tpu.dma_semaphore, #tpu.memory_space<semaphore_mem>>
      tpu.enqueue_dma source(%arg5 : memref<10000xf32, #tpu.memory_space<hbm>>) target(%arg11 : memref<10000xf32, #tpu.memory_space<vmem>>) target_semaphore(%run_scoped3A : memref<!tpu.dma_semaphore, #tpu.memory_space<semaphore_mem>>)
      tpu.wait_dma2 semaphore(%run_scoped3A : memref<!tpu.dma_semaphore, #tpu.memory_space<semaphore_mem>>) src(%arg5 : memref<10000xf32, #tpu.memory_space<hbm>>) dst(%arg11 : memref<10000xf32, #tpu.memory_space<vmem>>)
      tpu.yield
    }) : () -> ()
    "tpu.region"() ({
      %run_scoped3A = tpu.sem_alloc : memref<!tpu.dma_semaphore, #tpu.memory_space<semaphore_mem>>
      %dma_start3A = tpu.memref_slice %arg2[%mul3A_0] : memref<160000xi32, #tpu.memory_space<hbm>> -> memref<10000xi32, #tpu.memory_space<hbm>>
      %dma_start3A_7 = tpu.memref_slice %arg2[%mul3A_0] : memref<160000xi32, #tpu.memory_space<hbm>> -> memref<10000xi32, #tpu.memory_space<hbm>>
      tpu.enqueue_dma source(%dma_start3A_7 : memref<10000xi32, #tpu.memory_space<hbm>>) target(%arg8 : memref<10000xi32, #tpu.memory_space<vmem>>) target_semaphore(%run_scoped3A : memref<!tpu.dma_semaphore, #tpu.memory_space<semaphore_mem>>)
      %dma_wait3A = tpu.memref_slice %arg2[%mul3A_0] : memref<160000xi32, #tpu.memory_space<hbm>> -> memref<10000xi32, #tpu.memory_space<hbm>>
      %dma_wait3A_8 = tpu.memref_slice %arg2[%mul3A_0] : memref<160000xi32, #tpu.memory_space<hbm>> -> memref<10000xi32, #tpu.memory_space<hbm>>
      tpu.wait_dma2 semaphore(%run_scoped3A : memref<!tpu.dma_semaphore, #tpu.memory_space<semaphore_mem>>) src(%dma_wait3A_8 : memref<10000xi32, #tpu.memory_space<hbm>>) dst(%arg8 : memref<10000xi32, #tpu.memory_space<vmem>>)
      tpu.yield
    }) : () -> ()
    "tpu.region"() ({
      %run_scoped3A = tpu.sem_alloc : memref<!tpu.dma_semaphore, #tpu.memory_space<semaphore_mem>>
      %dma_start3A = tpu.memref_slice %arg3[%mul3A_0] : memref<160000xi32, #tpu.memory_space<hbm>> -> memref<10000xi32, #tpu.memory_space<hbm>>
      %dma_start3A_7 = tpu.memref_slice %arg3[%mul3A_0] : memref<160000xi32, #tpu.memory_space<hbm>> -> memref<10000xi32, #tpu.memory_space<hbm>>
      tpu.enqueue_dma source(%dma_start3A_7 : memref<10000xi32, #tpu.memory_space<hbm>>) target(%arg9 : memref<10000xi32, #tpu.memory_space<vmem>>) target_semaphore(%run_scoped3A : memref<!tpu.dma_semaphore, #tpu.memory_space<semaphore_mem>>)
      %dma_wait3A = tpu.memref_slice %arg3[%mul3A_0] : memref<160000xi32, #tpu.memory_space<hbm>> -> memref<10000xi32, #tpu.memory_space<hbm>>
      %dma_wait3A_8 = tpu.memref_slice %arg3[%mul3A_0] : memref<160000xi32, #tpu.memory_space<hbm>> -> memref<10000xi32, #tpu.memory_space<hbm>>
      tpu.wait_dma2 semaphore(%run_scoped3A : memref<!tpu.dma_semaphore, #tpu.memory_space<semaphore_mem>>) src(%dma_wait3A_8 : memref<10000xi32, #tpu.memory_space<hbm>>) dst(%arg9 : memref<10000xi32, #tpu.memory_space<vmem>>)
      tpu.yield
    }) : () -> ()
    %ne3A = arith.constant 0 : i32
    %ne3A_1 = arith.cmpi ne, %arg0, %ne3A : i32
    %convert_element_type3A = arith.extui %ne3A_1 : i1 to i32
    %cond3A = arith.constant 0 : i32
    %cond3A_2 = arith.cmpi ne, %convert_element_type3A, %cond3A : i32
    scf.if %cond3A_2 {
      %scan3A = arith.constant 0 : i32
      %scan3A_7 = arith.constant 625 : i32
      %scan3A_8 = arith.addi %scan3A, %scan3A_7 : i32
      %scan3A_9 = arith.constant 1 : i32
      scf.for %scan3A_11 = %scan3A to %scan3A_8 step %scan3A_9  : i32 {
        %mul3A_12 = arith.constant 16 : i32
        %mul3A_13 = arith.muli %scan3A_11, %mul3A_12 : i32
        %add3A = arith.constant 0 : i32
        %add3A_14 = arith.addi %add3A, %mul3A_13 : i32
        %get3A = arith.index_cast %add3A_14 : i32 to index
        %get3A_15 = tpu.vector_load %arg8[%get3A] {strides = array<i32>} : memref<10000xi32, #tpu.memory_space<vmem>>, vector<16xi32>,
        %get3A_16 = arith.index_cast %add3A_14 : i32 to index
        %get3A_17 = tpu.vector_load %arg9[%get3A_16] {strides = array<i32>} : memref<10000xi32, #tpu.memory_space<vmem>>, vector<16xi32>,
        %gather3A = tpu.vector_load_idx %arg10[%get3A_15] : memref<10000xf32, #tpu.memory_space<vmem>>[vector<16xi32>], vector<16xf32>,
        %gather3A_18 = tpu.vector_load_idx %arg11[%get3A_17] : memref<10000xf32, #tpu.memory_space<vmem>>[vector<16xi32>], vector<16xf32>,
        %add3A_19 = arith.addf %gather3A, %gather3A_18 : vector<16xf32>
        %mul3A_20 = arith.constant 2.000000e-01 : f32
        %mul3A_21 = vector.broadcast %mul3A_20 : f32 to vector<16xf32>
        %mul3A_22 = arith.mulf %mul3A_21, %add3A_19 : vector<16xf32>
        %max3A = arith.maximumf %add3A_19, %mul3A_22 : vector<16xf32>
        %exp3A = math.exp %max3A : vector<16xf32>
        %sub3A = arith.constant 1.000000e+00 : f32
        %sub3A_23 = vector.broadcast %sub3A : f32 to vector<16xf32>
        %sub3A_24 = arith.subf %exp3A, %sub3A_23 : vector<16xf32>
        %swap3A = arith.index_cast %add3A_14 : i32 to index
        %swap3A_25 = tpu.vector_load %arg12[%swap3A] {strides = array<i32>} : memref<10000xf32, #tpu.memory_space<vmem>>, vector<16xf32>,
        tpu.vector_store %arg12[%swap3A], %sub3A_24 {strides = array<i32>} : memref<10000xf32, #tpu.memory_space<vmem>>, vector<16xf32>,
      }
      %scan3A_10 = arith.constant 625 : i32
      "tpu.region"() ({
        %run_scoped3A = tpu.sem_alloc : memref<!tpu.dma_semaphore, #tpu.memory_space<semaphore_mem>>
        %dma_start3A = tpu.memref_slice %arg6[%mul3A_0] : memref<160000xf32, #tpu.memory_space<hbm>> -> memref<10000xf32, #tpu.memory_space<hbm>>
        %dma_start3A_11 = tpu.memref_slice %arg6[%mul3A_0] : memref<160000xf32, #tpu.memory_space<hbm>> -> memref<10000xf32, #tpu.memory_space<hbm>>
        tpu.enqueue_dma source(%arg12 : memref<10000xf32, #tpu.memory_space<vmem>>) target(%dma_start3A_11 : memref<10000xf32, #tpu.memory_space<hbm>>) target_semaphore(%run_scoped3A : memref<!tpu.dma_semaphore, #tpu.memory_space<semaphore_mem>>)
        %dma_wait3A = tpu.memref_slice %arg6[%mul3A_0] : memref<160000xf32, #tpu.memory_space<hbm>> -> memref<10000xf32, #tpu.memory_space<hbm>>
        %dma_wait3A_12 = tpu.memref_slice %arg6[%mul3A_0] : memref<160000xf32, #tpu.memory_space<hbm>> -> memref<10000xf32, #tpu.memory_space<hbm>>
        tpu.wait_dma2 semaphore(%run_scoped3A : memref<!tpu.dma_semaphore, #tpu.memory_space<semaphore_mem>>) src(%arg12 : memref<10000xf32, #tpu.memory_space<vmem>>) dst(%dma_wait3A_12 : memref<10000xf32, #tpu.memory_space<hbm>>)
        tpu.yield
      }) : () -> ()
    } else {
    }
    %eq3A = arith.constant 0 : i32
    %eq3A_3 = arith.cmpi eq, %arg0, %eq3A : i32
    %convert_element_type3A_4 = arith.extui %eq3A_3 : i1 to i32
    %cond3A_5 = arith.constant 0 : i32
    %cond3A_6 = arith.cmpi ne, %convert_element_type3A_4, %cond3A_5 : i32
    scf.if %cond3A_6 {
      %scan3A = arith.constant 0 : i32
      %scan3A_7 = arith.constant 625 : i32
      %scan3A_8 = arith.addi %scan3A, %scan3A_7 : i32
      %scan3A_9 = arith.constant 1 : i32
      scf.for %scan3A_16 = %scan3A to %scan3A_8 step %scan3A_9  : i32 {
        %mul3A_17 = arith.constant 16 : i32
        %mul3A_18 = arith.muli %scan3A_16, %mul3A_17 : i32
        %add3A = arith.constant 0 : i32
        %add3A_19 = arith.addi %add3A, %mul3A_18 : i32
        %broadcast_in_dim3A = arith.constant 0.000000e+00 : f32
        %broadcast_in_dim3A_20 = vector.broadcast %broadcast_in_dim3A : f32 to vector<16xf32>
        %swap3A = arith.index_cast %add3A_19 : i32 to index
        %swap3A_21 = tpu.vector_load %arg12[%swap3A] {strides = array<i32>} : memref<10000xf32, #tpu.memory_space<vmem>>, vector<16xf32>,
        tpu.vector_store %arg12[%swap3A], %broadcast_in_dim3A_20 {strides = array<i32>} : memref<10000xf32, #tpu.memory_space<vmem>>, vector<16xf32>,
      }
      %scan3A_10 = arith.constant 625 : i32
      %scan3A_11 = arith.constant 0 : i32
      %scan3A_12 = arith.constant 625 : i32
      %scan3A_13 = arith.addi %scan3A_11, %scan3A_12 : i32
      %scan3A_14 = arith.constant 1 : i32
      scf.for %scan3A_16 = %scan3A_11 to %scan3A_13 step %scan3A_14  : i32 {
        %mul3A_17 = arith.constant 16 : i32
        %mul3A_18 = arith.muli %scan3A_16, %mul3A_17 : i32
        %add3A = arith.constant 0 : i32
        %add3A_19 = arith.addi %add3A, %mul3A_18 : i32
        %get3A = arith.index_cast %add3A_19 : i32 to index
        %get3A_20 = tpu.vector_load %arg8[%get3A] {strides = array<i32>} : memref<10000xi32, #tpu.memory_space<vmem>>, vector<16xi32>,
        %get3A_21 = arith.index_cast %add3A_19 : i32 to index
        %get3A_22 = tpu.vector_load %arg9[%get3A_21] {strides = array<i32>} : memref<10000xi32, #tpu.memory_space<vmem>>, vector<16xi32>,
        %gather3A = tpu.vector_load_idx %arg10[%get3A_20] : memref<10000xf32, #tpu.memory_space<vmem>>[vector<16xi32>], vector<16xf32>,
        %gather3A_23 = tpu.vector_load_idx %arg11[%get3A_22] : memref<10000xf32, #tpu.memory_space<vmem>>[vector<16xi32>], vector<16xf32>,
        %add3A_24 = arith.addf %gather3A, %gather3A_23 : vector<16xf32>
        %mul3A_25 = arith.constant 2.000000e-01 : f32
        %mul3A_26 = vector.broadcast %mul3A_25 : f32 to vector<16xf32>
        %mul3A_27 = arith.mulf %mul3A_26, %add3A_24 : vector<16xf32>
        %max3A = arith.maximumf %add3A_24, %mul3A_27 : vector<16xf32>
        %exp3A = math.exp %max3A : vector<16xf32>
        %sub3A = arith.constant 1.000000e+00 : f32
        %sub3A_28 = vector.broadcast %sub3A : f32 to vector<16xf32>
        %sub3A_29 = arith.subf %exp3A, %sub3A_28 : vector<16xf32>
        tpu.vector_store_idx %arg12[%get3A_20], %sub3A_29 {add = true} : memref<10000xf32, #tpu.memory_space<vmem>>[vector<16xi32>], vector<16xf32>,
      }
      %scan3A_15 = arith.constant 625 : i32
      "tpu.region"() ({
        %run_scoped3A = tpu.sem_alloc : memref<!tpu.dma_semaphore, #tpu.memory_space<semaphore_mem>>
        %dma_start3A = arith.constant 0 : i32
        %dma_start3A_16 = tpu.memref_slice %arg7[%arg1, %dma_start3A] : memref<16x10000xf32, #tpu.memory_space<hbm>> -> memref<1x10000xf32, #tpu.memory_space<hbm>>
        %dma_start3A_17 = tpu.memref_squeeze %dma_start3A_16 : memref<1x10000xf32, #tpu.memory_space<hbm>> -> memref<10000xf32, #tpu.memory_space<hbm>>
        %dma_start3A_18 = arith.constant 0 : i32
        %dma_start3A_19 = tpu.memref_slice %arg7[%arg1, %dma_start3A_18] : memref<16x10000xf32, #tpu.memory_space<hbm>> -> memref<1x10000xf32, #tpu.memory_space<hbm>>
        %dma_start3A_20 = tpu.memref_squeeze %dma_start3A_19 : memref<1x10000xf32, #tpu.memory_space<hbm>> -> memref<10000xf32, #tpu.memory_space<hbm>>
        tpu.enqueue_dma source(%arg12 : memref<10000xf32, #tpu.memory_space<vmem>>) target(%dma_start3A_20 : memref<10000xf32, #tpu.memory_space<hbm>>) target_semaphore(%run_scoped3A : memref<!tpu.dma_semaphore, #tpu.memory_space<semaphore_mem>>)
        %dma_wait3A = arith.constant 0 : i32
        %dma_wait3A_21 = tpu.memref_slice %arg7[%arg1, %dma_wait3A] : memref<16x10000xf32, #tpu.memory_space<hbm>> -> memref<1x10000xf32, #tpu.memory_space<hbm>>
        %dma_wait3A_22 = tpu.memref_squeeze %dma_wait3A_21 : memref<1x10000xf32, #tpu.memory_space<hbm>> -> memref<10000xf32, #tpu.memory_space<hbm>>
        %dma_wait3A_23 = arith.constant 0 : i32
        %dma_wait3A_24 = tpu.memref_slice %arg7[%arg1, %dma_wait3A_23] : memref<16x10000xf32, #tpu.memory_space<hbm>> -> memref<1x10000xf32, #tpu.memory_space<hbm>>
        %dma_wait3A_25 = tpu.memref_squeeze %dma_wait3A_24 : memref<1x10000xf32, #tpu.memory_space<hbm>> -> memref<10000xf32, #tpu.memory_space<hbm>>
        tpu.wait_dma2 semaphore(%run_scoped3A : memref<!tpu.dma_semaphore, #tpu.memory_space<semaphore_mem>>) src(%arg12 : memref<10000xf32, #tpu.memory_space<vmem>>) dst(%dma_wait3A_25 : memref<10000xf32, #tpu.memory_space<hbm>>)
        tpu.yield
      }) : () -> ()
    } else {
    }
    return
  }
}

#map = affine_map<(d0, d1) -> (0, 0)>
#map1 = affine_map<(d0, d1) -> (0)>
#map2 = affine_map<(d0, d1) -> (0, 0, 0)>
module attributes {stable_mosaic.version = 14 : i64} {
  func.func @_agg_kernel_body(%arg0: i32, %arg1: i32, %arg2: memref<128x10000xf32, #tpu.memory_space<hbm>>, %arg3: memref<160000xi32, #tpu.memory_space<hbm>>, %arg4: memref<160000xi32, #tpu.memory_space<hbm>>, %arg5: memref<160000xf32, #tpu.memory_space<hbm>>, %arg6: memref<2x128x5000xf32, #tpu.memory_space<hbm>>, %arg7: memref<8x10000xf32, #tpu.memory_space<vmem>>, %arg8: memref<8x5000xf32, #tpu.memory_space<vmem>>, %arg9: memref<3072xi32, #tpu.memory_space<vmem>>, %arg10: memref<3072xi32, #tpu.memory_space<vmem>>, %arg11: memref<3072xf32, #tpu.memory_space<vmem>>) attributes {dimension_semantics = [#tpu.dimension_semantics<core_parallel>, #tpu.dimension_semantics<subcore_parallel>], iteration_bounds = array<i64: 2, 16>, scalar_prefetch = 0 : i64, scratch_operands = 5 : i64, tpu.core_type = #tpu.core_type<sc_vector_subcore>, window_params = [{transform_indices = #map}, {transform_indices = #map1}, {transform_indices = #map1}, {transform_indices = #map1}, {transform_indices = #map2}]} {
    %mul3A = arith.constant 16 : i32
    %mul3A_0 = arith.muli %arg0, %mul3A : i32
    %add3A = arith.addi %mul3A_0, %arg1 : i32
    %jit3A = arith.constant 16 : i32
    %eq3A = arith.constant 0 : i32
    %eq3A_1 = arith.cmpi eq, %jit3A, %eq3A : i32
    %jit3A_2 = arith.constant 1 : i32
    %select_n3A = arith.select %eq3A_1, %jit3A_2, %jit3A : i32
    %rem3A = arith.remsi %add3A, %select_n3A : i32
    %ne3A = arith.constant 0 : i32
    %ne3A_3 = arith.cmpi ne, %rem3A, %ne3A : i32
    %lt3A = arith.constant 0 : i32
    %lt3A_4 = arith.cmpi slt, %rem3A, %lt3A : i32
    %lt3A_5 = arith.constant 0 : i32
    %lt3A_6 = arith.cmpi slt, %select_n3A, %lt3A_5 : i32
    %ne3A_7 = arith.xori %lt3A_4, %lt3A_6 : i1
    %and3A = arith.andi %ne3A_7, %ne3A_3 : i1
    %add3A_8 = arith.addi %rem3A, %select_n3A : i32
    %select_n3A_9 = arith.select %and3A, %add3A_8, %rem3A : i32
    %jit3A_10 = arith.constant 16 : i32
    %div3A = arith.divsi %add3A, %jit3A_10 : i32
    %sign3A = arith.constant 0 : i32
    %sign3A_11 = arith.cmpi sgt, %add3A, %sign3A : i32
    %sign3A_12 = arith.extui %sign3A_11 : i1 to i32
    %sign3A_13 = arith.constant 0 : i32
    %sign3A_14 = arith.cmpi slt, %add3A, %sign3A_13 : i32
    %sign3A_15 = arith.extui %sign3A_14 : i1 to i32
    %sign3A_16 = arith.subi %sign3A_12, %sign3A_15 : i32
    %sign3A_17 = arith.constant 0 : i32
    %sign3A_18 = arith.cmpi sgt, %jit3A_10, %sign3A_17 : i32
    %sign3A_19 = arith.extui %sign3A_18 : i1 to i32
    %sign3A_20 = arith.constant 0 : i32
    %sign3A_21 = arith.cmpi slt, %jit3A_10, %sign3A_20 : i32
    %sign3A_22 = arith.extui %sign3A_21 : i1 to i32
    %sign3A_23 = arith.subi %sign3A_19, %sign3A_22 : i32
    %ne3A_24 = arith.cmpi ne, %sign3A_16, %sign3A_23 : i32
    %rem3A_25 = arith.remsi %add3A, %jit3A_10 : i32
    %ne3A_26 = arith.constant 0 : i32
    %ne3A_27 = arith.cmpi ne, %rem3A_25, %ne3A_26 : i32
    %and3A_28 = arith.andi %ne3A_24, %ne3A_27 : i1
    %sub3A = arith.constant 1 : i32
    %sub3A_29 = arith.subi %div3A, %sub3A : i32
    %select_n3A_30 = arith.select %and3A_28, %sub3A_29, %div3A : i32
    %mul3A_31 = arith.constant 5000 : i32
    %mul3A_32 = arith.muli %select_n3A_30, %mul3A_31 : i32
    %mul3A_33 = arith.constant 8 : i32
    %mul3A_34 = arith.muli %select_n3A_9, %mul3A_33 : i32
    "tpu.region"() ({
      %run_scoped3A = tpu.sem_alloc : memref<!tpu.dma_semaphore, #tpu.memory_space<semaphore_mem>>
      %dma_start3A = arith.constant 0 : i32
      %dma_start3A_86 = tpu.memref_slice %arg2[%mul3A_34, %dma_start3A] : memref<128x10000xf32, #tpu.memory_space<hbm>> -> memref<8x10000xf32, #tpu.memory_space<hbm>>
      %dma_start3A_87 = arith.constant 0 : i32
      %dma_start3A_88 = tpu.memref_slice %arg2[%mul3A_34, %dma_start3A_87] : memref<128x10000xf32, #tpu.memory_space<hbm>> -> memref<8x10000xf32, #tpu.memory_space<hbm>>
      tpu.enqueue_dma source(%dma_start3A_88 : memref<8x10000xf32, #tpu.memory_space<hbm>>) target(%arg7 : memref<8x10000xf32, #tpu.memory_space<vmem>>) target_semaphore(%run_scoped3A : memref<!tpu.dma_semaphore, #tpu.memory_space<semaphore_mem>>)
      %dma_wait3A = arith.constant 0 : i32
      %dma_wait3A_89 = tpu.memref_slice %arg2[%mul3A_34, %dma_wait3A] : memref<128x10000xf32, #tpu.memory_space<hbm>> -> memref<8x10000xf32, #tpu.memory_space<hbm>>
      %dma_wait3A_90 = arith.constant 0 : i32
      %dma_wait3A_91 = tpu.memref_slice %arg2[%mul3A_34, %dma_wait3A_90] : memref<128x10000xf32, #tpu.memory_space<hbm>> -> memref<8x10000xf32, #tpu.memory_space<hbm>>
      tpu.wait_dma2 semaphore(%run_scoped3A : memref<!tpu.dma_semaphore, #tpu.memory_space<semaphore_mem>>) src(%dma_wait3A_91 : memref<8x10000xf32, #tpu.memory_space<hbm>>) dst(%arg7 : memref<8x10000xf32, #tpu.memory_space<vmem>>)
      tpu.yield
    }) : () -> ()
    %scan3A = arith.constant 0 : i32
    %scan3A_35 = arith.constant 313 : i32
    %scan3A_36 = arith.addi %scan3A, %scan3A_35 : i32
    %scan3A_37 = arith.constant 1 : i32
    scf.for %scan3A_86 = %scan3A to %scan3A_36 step %scan3A_37  : i32 {
      %mul3A_87 = arith.constant 16 : i32
      %mul3A_88 = arith.muli %scan3A_86, %mul3A_87 : i32
      %add3A_89 = arith.constant 0 : i32
      %add3A_90 = arith.addi %add3A_89, %mul3A_88 : i32
      %broadcast_in_dim3A = arith.constant 0.000000e+00 : f32
      %broadcast_in_dim3A_91 = vector.broadcast %broadcast_in_dim3A : f32 to vector<16xf32>
      %swap3A = arith.constant 0 : i32
      %swap3A_92 = arith.index_cast %swap3A : i32 to index
      %swap3A_93 = arith.index_cast %add3A_90 : i32 to index
      %swap3A_94 = tpu.vector_load %arg8[%swap3A_92, %swap3A_93] {strides = array<i32>} : memref<8x5000xf32, #tpu.memory_space<vmem>>, vector<16xf32>,
      tpu.vector_store %arg8[%swap3A_92, %swap3A_93], %broadcast_in_dim3A_91 {strides = array<i32>} : memref<8x5000xf32, #tpu.memory_space<vmem>>, vector<16xf32>,
    }
    %scan3A_38 = arith.constant 313 : i32
    %scan3A_39 = arith.constant 0 : i32
    %scan3A_40 = arith.constant 313 : i32
    %scan3A_41 = arith.addi %scan3A_39, %scan3A_40 : i32
    %scan3A_42 = arith.constant 1 : i32
    scf.for %scan3A_86 = %scan3A_39 to %scan3A_41 step %scan3A_42  : i32 {
      %mul3A_87 = arith.constant 16 : i32
      %mul3A_88 = arith.muli %scan3A_86, %mul3A_87 : i32
      %add3A_89 = arith.constant 0 : i32
      %add3A_90 = arith.addi %add3A_89, %mul3A_88 : i32
      %broadcast_in_dim3A = arith.constant 0.000000e+00 : f32
      %broadcast_in_dim3A_91 = vector.broadcast %broadcast_in_dim3A : f32 to vector<16xf32>
      %swap3A = arith.constant 1 : i32
      %swap3A_92 = arith.index_cast %swap3A : i32 to index
      %swap3A_93 = arith.index_cast %add3A_90 : i32 to index
      %swap3A_94 = tpu.vector_load %arg8[%swap3A_92, %swap3A_93] {strides = array<i32>} : memref<8x5000xf32, #tpu.memory_space<vmem>>, vector<16xf32>,
      tpu.vector_store %arg8[%swap3A_92, %swap3A_93], %broadcast_in_dim3A_91 {strides = array<i32>} : memref<8x5000xf32, #tpu.memory_space<vmem>>, vector<16xf32>,
    }
    %scan3A_43 = arith.constant 313 : i32
    %scan3A_44 = arith.constant 0 : i32
    %scan3A_45 = arith.constant 313 : i32
    %scan3A_46 = arith.addi %scan3A_44, %scan3A_45 : i32
    %scan3A_47 = arith.constant 1 : i32
    scf.for %scan3A_86 = %scan3A_44 to %scan3A_46 step %scan3A_47  : i32 {
      %mul3A_87 = arith.constant 16 : i32
      %mul3A_88 = arith.muli %scan3A_86, %mul3A_87 : i32
      %add3A_89 = arith.constant 0 : i32
      %add3A_90 = arith.addi %add3A_89, %mul3A_88 : i32
      %broadcast_in_dim3A = arith.constant 0.000000e+00 : f32
      %broadcast_in_dim3A_91 = vector.broadcast %broadcast_in_dim3A : f32 to vector<16xf32>
      %swap3A = arith.constant 2 : i32
      %swap3A_92 = arith.index_cast %swap3A : i32 to index
      %swap3A_93 = arith.index_cast %add3A_90 : i32 to index
      %swap3A_94 = tpu.vector_load %arg8[%swap3A_92, %swap3A_93] {strides = array<i32>} : memref<8x5000xf32, #tpu.memory_space<vmem>>, vector<16xf32>,
      tpu.vector_store %arg8[%swap3A_92, %swap3A_93], %broadcast_in_dim3A_91 {strides = array<i32>} : memref<8x5000xf32, #tpu.memory_space<vmem>>, vector<16xf32>,
    }
    %scan3A_48 = arith.constant 313 : i32
    %scan3A_49 = arith.constant 0 : i32
    %scan3A_50 = arith.constant 313 : i32
    %scan3A_51 = arith.addi %scan3A_49, %scan3A_50 : i32
    %scan3A_52 = arith.constant 1 : i32
    scf.for %scan3A_86 = %scan3A_49 to %scan3A_51 step %scan3A_52  : i32 {
      %mul3A_87 = arith.constant 16 : i32
      %mul3A_88 = arith.muli %scan3A_86, %mul3A_87 : i32
      %add3A_89 = arith.constant 0 : i32
      %add3A_90 = arith.addi %add3A_89, %mul3A_88 : i32
      %broadcast_in_dim3A = arith.constant 0.000000e+00 : f32
      %broadcast_in_dim3A_91 = vector.broadcast %broadcast_in_dim3A : f32 to vector<16xf32>
      %swap3A = arith.constant 3 : i32
      %swap3A_92 = arith.index_cast %swap3A : i32 to index
      %swap3A_93 = arith.index_cast %add3A_90 : i32 to index
      %swap3A_94 = tpu.vector_load %arg8[%swap3A_92, %swap3A_93] {strides = array<i32>} : memref<8x5000xf32, #tpu.memory_space<vmem>>, vector<16xf32>,
      tpu.vector_store %arg8[%swap3A_92, %swap3A_93], %broadcast_in_dim3A_91 {strides = array<i32>} : memref<8x5000xf32, #tpu.memory_space<vmem>>, vector<16xf32>,
    }
    %scan3A_53 = arith.constant 313 : i32
    %scan3A_54 = arith.constant 0 : i32
    %scan3A_55 = arith.constant 313 : i32
    %scan3A_56 = arith.addi %scan3A_54, %scan3A_55 : i32
    %scan3A_57 = arith.constant 1 : i32
    scf.for %scan3A_86 = %scan3A_54 to %scan3A_56 step %scan3A_57  : i32 {
      %mul3A_87 = arith.constant 16 : i32
      %mul3A_88 = arith.muli %scan3A_86, %mul3A_87 : i32
      %add3A_89 = arith.constant 0 : i32
      %add3A_90 = arith.addi %add3A_89, %mul3A_88 : i32
      %broadcast_in_dim3A = arith.constant 0.000000e+00 : f32
      %broadcast_in_dim3A_91 = vector.broadcast %broadcast_in_dim3A : f32 to vector<16xf32>
      %swap3A = arith.constant 4 : i32
      %swap3A_92 = arith.index_cast %swap3A : i32 to index
      %swap3A_93 = arith.index_cast %add3A_90 : i32 to index
      %swap3A_94 = tpu.vector_load %arg8[%swap3A_92, %swap3A_93] {strides = array<i32>} : memref<8x5000xf32, #tpu.memory_space<vmem>>, vector<16xf32>,
      tpu.vector_store %arg8[%swap3A_92, %swap3A_93], %broadcast_in_dim3A_91 {strides = array<i32>} : memref<8x5000xf32, #tpu.memory_space<vmem>>, vector<16xf32>,
    }
    %scan3A_58 = arith.constant 313 : i32
    %scan3A_59 = arith.constant 0 : i32
    %scan3A_60 = arith.constant 313 : i32
    %scan3A_61 = arith.addi %scan3A_59, %scan3A_60 : i32
    %scan3A_62 = arith.constant 1 : i32
    scf.for %scan3A_86 = %scan3A_59 to %scan3A_61 step %scan3A_62  : i32 {
      %mul3A_87 = arith.constant 16 : i32
      %mul3A_88 = arith.muli %scan3A_86, %mul3A_87 : i32
      %add3A_89 = arith.constant 0 : i32
      %add3A_90 = arith.addi %add3A_89, %mul3A_88 : i32
      %broadcast_in_dim3A = arith.constant 0.000000e+00 : f32
      %broadcast_in_dim3A_91 = vector.broadcast %broadcast_in_dim3A : f32 to vector<16xf32>
      %swap3A = arith.constant 5 : i32
      %swap3A_92 = arith.index_cast %swap3A : i32 to index
      %swap3A_93 = arith.index_cast %add3A_90 : i32 to index
      %swap3A_94 = tpu.vector_load %arg8[%swap3A_92, %swap3A_93] {strides = array<i32>} : memref<8x5000xf32, #tpu.memory_space<vmem>>, vector<16xf32>,
      tpu.vector_store %arg8[%swap3A_92, %swap3A_93], %broadcast_in_dim3A_91 {strides = array<i32>} : memref<8x5000xf32, #tpu.memory_space<vmem>>, vector<16xf32>,
    }
    %scan3A_63 = arith.constant 313 : i32
    %scan3A_64 = arith.constant 0 : i32
    %scan3A_65 = arith.constant 313 : i32
    %scan3A_66 = arith.addi %scan3A_64, %scan3A_65 : i32
    %scan3A_67 = arith.constant 1 : i32
    scf.for %scan3A_86 = %scan3A_64 to %scan3A_66 step %scan3A_67  : i32 {
      %mul3A_87 = arith.constant 16 : i32
      %mul3A_88 = arith.muli %scan3A_86, %mul3A_87 : i32
      %add3A_89 = arith.constant 0 : i32
      %add3A_90 = arith.addi %add3A_89, %mul3A_88 : i32
      %broadcast_in_dim3A = arith.constant 0.000000e+00 : f32
      %broadcast_in_dim3A_91 = vector.broadcast %broadcast_in_dim3A : f32 to vector<16xf32>
      %swap3A = arith.constant 6 : i32
      %swap3A_92 = arith.index_cast %swap3A : i32 to index
      %swap3A_93 = arith.index_cast %add3A_90 : i32 to index
      %swap3A_94 = tpu.vector_load %arg8[%swap3A_92, %swap3A_93] {strides = array<i32>} : memref<8x5000xf32, #tpu.memory_space<vmem>>, vector<16xf32>,
      tpu.vector_store %arg8[%swap3A_92, %swap3A_93], %broadcast_in_dim3A_91 {strides = array<i32>} : memref<8x5000xf32, #tpu.memory_space<vmem>>, vector<16xf32>,
    }
    %scan3A_68 = arith.constant 313 : i32
    %scan3A_69 = arith.constant 0 : i32
    %scan3A_70 = arith.constant 313 : i32
    %scan3A_71 = arith.addi %scan3A_69, %scan3A_70 : i32
    %scan3A_72 = arith.constant 1 : i32
    scf.for %scan3A_86 = %scan3A_69 to %scan3A_71 step %scan3A_72  : i32 {
      %mul3A_87 = arith.constant 16 : i32
      %mul3A_88 = arith.muli %scan3A_86, %mul3A_87 : i32
      %add3A_89 = arith.constant 0 : i32
      %add3A_90 = arith.addi %add3A_89, %mul3A_88 : i32
      %broadcast_in_dim3A = arith.constant 0.000000e+00 : f32
      %broadcast_in_dim3A_91 = vector.broadcast %broadcast_in_dim3A : f32 to vector<16xf32>
      %swap3A = arith.constant 7 : i32
      %swap3A_92 = arith.index_cast %swap3A : i32 to index
      %swap3A_93 = arith.index_cast %add3A_90 : i32 to index
      %swap3A_94 = tpu.vector_load %arg8[%swap3A_92, %swap3A_93] {strides = array<i32>} : memref<8x5000xf32, #tpu.memory_space<vmem>>, vector<16xf32>,
      tpu.vector_store %arg8[%swap3A_92, %swap3A_93], %broadcast_in_dim3A_91 {strides = array<i32>} : memref<8x5000xf32, #tpu.memory_space<vmem>>, vector<16xf32>,
    }
    %scan3A_73 = arith.constant 313 : i32
    %scan3A_74 = arith.constant 0 : i32
    %scan3A_75 = arith.constant 52 : i32
    %scan3A_76 = arith.addi %scan3A_74, %scan3A_75 : i32
    %scan3A_77 = arith.constant 1 : i32
    scf.for %scan3A_86 = %scan3A_74 to %scan3A_76 step %scan3A_77  : i32 {
      %mul3A_87 = arith.constant 1 : i32
      %mul3A_88 = arith.muli %scan3A_86, %mul3A_87 : i32
      %add3A_89 = arith.constant 0 : i32
      %add3A_90 = arith.addi %add3A_89, %mul3A_88 : i32
      %mul3A_91 = arith.constant 3072 : i32
      %mul3A_92 = arith.muli %add3A_90, %mul3A_91 : i32
      "tpu.region"() ({
        %run_scoped3A = tpu.sem_alloc : memref<!tpu.dma_semaphore, #tpu.memory_space<semaphore_mem>>
        %dma_start3A = arith.constant 0 : i32
        %dma_start3A_98 = tpu.memref_slice %arg9[%dma_start3A] : memref<3072xi32, #tpu.memory_space<vmem>> -> memref<3072xi32, #tpu.memory_space<vmem>>
        %dma_start3A_99 = tpu.memref_slice %arg3[%mul3A_92] : memref<160000xi32, #tpu.memory_space<hbm>> -> memref<3072xi32, #tpu.memory_space<hbm>>
        %dma_start3A_100 = arith.constant 0 : i32
        %dma_start3A_101 = tpu.memref_slice %arg9[%dma_start3A_100] : memref<3072xi32, #tpu.memory_space<vmem>> -> memref<3072xi32, #tpu.memory_space<vmem>>
        %dma_start3A_102 = tpu.memref_slice %arg3[%mul3A_92] : memref<160000xi32, #tpu.memory_space<hbm>> -> memref<3072xi32, #tpu.memory_space<hbm>>
        tpu.enqueue_dma source(%dma_start3A_102 : memref<3072xi32, #tpu.memory_space<hbm>>) target(%dma_start3A_101 : memref<3072xi32, #tpu.memory_space<vmem>>) target_semaphore(%run_scoped3A : memref<!tpu.dma_semaphore, #tpu.memory_space<semaphore_mem>>)
        %dma_wait3A = arith.constant 0 : i32
        %dma_wait3A_103 = tpu.memref_slice %arg9[%dma_wait3A] : memref<3072xi32, #tpu.memory_space<vmem>> -> memref<3072xi32, #tpu.memory_space<vmem>>
        %dma_wait3A_104 = tpu.memref_slice %arg3[%mul3A_92] : memref<160000xi32, #tpu.memory_space<hbm>> -> memref<3072xi32, #tpu.memory_space<hbm>>
        %dma_wait3A_105 = arith.constant 0 : i32
        %dma_wait3A_106 = tpu.memref_slice %arg9[%dma_wait3A_105] : memref<3072xi32, #tpu.memory_space<vmem>> -> memref<3072xi32, #tpu.memory_space<vmem>>
        %dma_wait3A_107 = tpu.memref_slice %arg3[%mul3A_92] : memref<160000xi32, #tpu.memory_space<hbm>> -> memref<3072xi32, #tpu.memory_space<hbm>>
        tpu.wait_dma2 semaphore(%run_scoped3A : memref<!tpu.dma_semaphore, #tpu.memory_space<semaphore_mem>>) src(%dma_wait3A_107 : memref<3072xi32, #tpu.memory_space<hbm>>) dst(%dma_wait3A_106 : memref<3072xi32, #tpu.memory_space<vmem>>)
        tpu.yield
      }) : () -> ()
      "tpu.region"() ({
        %run_scoped3A = tpu.sem_alloc : memref<!tpu.dma_semaphore, #tpu.memory_space<semaphore_mem>>
        %dma_start3A = arith.constant 0 : i32
        %dma_start3A_98 = tpu.memref_slice %arg10[%dma_start3A] : memref<3072xi32, #tpu.memory_space<vmem>> -> memref<3072xi32, #tpu.memory_space<vmem>>
        %dma_start3A_99 = tpu.memref_slice %arg4[%mul3A_92] : memref<160000xi32, #tpu.memory_space<hbm>> -> memref<3072xi32, #tpu.memory_space<hbm>>
        %dma_start3A_100 = arith.constant 0 : i32
        %dma_start3A_101 = tpu.memref_slice %arg10[%dma_start3A_100] : memref<3072xi32, #tpu.memory_space<vmem>> -> memref<3072xi32, #tpu.memory_space<vmem>>
        %dma_start3A_102 = tpu.memref_slice %arg4[%mul3A_92] : memref<160000xi32, #tpu.memory_space<hbm>> -> memref<3072xi32, #tpu.memory_space<hbm>>
        tpu.enqueue_dma source(%dma_start3A_102 : memref<3072xi32, #tpu.memory_space<hbm>>) target(%dma_start3A_101 : memref<3072xi32, #tpu.memory_space<vmem>>) target_semaphore(%run_scoped3A : memref<!tpu.dma_semaphore, #tpu.memory_space<semaphore_mem>>)
        %dma_wait3A = arith.constant 0 : i32
        %dma_wait3A_103 = tpu.memref_slice %arg10[%dma_wait3A] : memref<3072xi32, #tpu.memory_space<vmem>> -> memref<3072xi32, #tpu.memory_space<vmem>>
        %dma_wait3A_104 = tpu.memref_slice %arg4[%mul3A_92] : memref<160000xi32, #tpu.memory_space<hbm>> -> memref<3072xi32, #tpu.memory_space<hbm>>
        %dma_wait3A_105 = arith.constant 0 : i32
        %dma_wait3A_106 = tpu.memref_slice %arg10[%dma_wait3A_105] : memref<3072xi32, #tpu.memory_space<vmem>> -> memref<3072xi32, #tpu.memory_space<vmem>>
        %dma_wait3A_107 = tpu.memref_slice %arg4[%mul3A_92] : memref<160000xi32, #tpu.memory_space<hbm>> -> memref<3072xi32, #tpu.memory_space<hbm>>
        tpu.wait_dma2 semaphore(%run_scoped3A : memref<!tpu.dma_semaphore, #tpu.memory_space<semaphore_mem>>) src(%dma_wait3A_107 : memref<3072xi32, #tpu.memory_space<hbm>>) dst(%dma_wait3A_106 : memref<3072xi32, #tpu.memory_space<vmem>>)
        tpu.yield
      }) : () -> ()
      "tpu.region"() ({
        %run_scoped3A = tpu.sem_alloc : memref<!tpu.dma_semaphore, #tpu.memory_space<semaphore_mem>>
        %dma_start3A = arith.constant 0 : i32
        %dma_start3A_98 = tpu.memref_slice %arg11[%dma_start3A] : memref<3072xf32, #tpu.memory_space<vmem>> -> memref<3072xf32, #tpu.memory_space<vmem>>
        %dma_start3A_99 = tpu.memref_slice %arg5[%mul3A_92] : memref<160000xf32, #tpu.memory_space<hbm>> -> memref<3072xf32, #tpu.memory_space<hbm>>
        %dma_start3A_100 = arith.constant 0 : i32
        %dma_start3A_101 = tpu.memref_slice %arg11[%dma_start3A_100] : memref<3072xf32, #tpu.memory_space<vmem>> -> memref<3072xf32, #tpu.memory_space<vmem>>
        %dma_start3A_102 = tpu.memref_slice %arg5[%mul3A_92] : memref<160000xf32, #tpu.memory_space<hbm>> -> memref<3072xf32, #tpu.memory_space<hbm>>
        tpu.enqueue_dma source(%dma_start3A_102 : memref<3072xf32, #tpu.memory_space<hbm>>) target(%dma_start3A_101 : memref<3072xf32, #tpu.memory_space<vmem>>) target_semaphore(%run_scoped3A : memref<!tpu.dma_semaphore, #tpu.memory_space<semaphore_mem>>)
        %dma_wait3A = arith.constant 0 : i32
        %dma_wait3A_103 = tpu.memref_slice %arg11[%dma_wait3A] : memref<3072xf32, #tpu.memory_space<vmem>> -> memref<3072xf32, #tpu.memory_space<vmem>>
        %dma_wait3A_104 = tpu.memref_slice %arg5[%mul3A_92] : memref<160000xf32, #tpu.memory_space<hbm>> -> memref<3072xf32, #tpu.memory_space<hbm>>
        %dma_wait3A_105 = arith.constant 0 : i32
        %dma_wait3A_106 = tpu.memref_slice %arg11[%dma_wait3A_105] : memref<3072xf32, #tpu.memory_space<vmem>> -> memref<3072xf32, #tpu.memory_space<vmem>>
        %dma_wait3A_107 = tpu.memref_slice %arg5[%mul3A_92] : memref<160000xf32, #tpu.memory_space<hbm>> -> memref<3072xf32, #tpu.memory_space<hbm>>
        tpu.wait_dma2 semaphore(%run_scoped3A : memref<!tpu.dma_semaphore, #tpu.memory_space<semaphore_mem>>) src(%dma_wait3A_107 : memref<3072xf32, #tpu.memory_space<hbm>>) dst(%dma_wait3A_106 : memref<3072xf32, #tpu.memory_space<vmem>>)
        tpu.yield
      }) : () -> ()
      %scan3A_93 = arith.constant 0 : i32
      %scan3A_94 = arith.constant 192 : i32
      %scan3A_95 = arith.addi %scan3A_93, %scan3A_94 : i32
      %scan3A_96 = arith.constant 1 : i32
      scf.for %scan3A_98 = %scan3A_93 to %scan3A_95 step %scan3A_96  : i32 {
        %mul3A_99 = arith.constant 16 : i32
        %mul3A_100 = arith.muli %scan3A_98, %mul3A_99 : i32
        %add3A_101 = arith.constant 0 : i32
        %add3A_102 = arith.addi %add3A_101, %mul3A_100 : i32
        %get3A = arith.index_cast %add3A_102 : i32 to index
        %get3A_103 = tpu.vector_load %arg9[%get3A] {strides = array<i32>} : memref<3072xi32, #tpu.memory_space<vmem>>, vector<16xi32>,
        %get3A_104 = arith.index_cast %add3A_102 : i32 to index
        %get3A_105 = tpu.vector_load %arg10[%get3A_104] {strides = array<i32>} : memref<3072xi32, #tpu.memory_space<vmem>>, vector<16xi32>,
        %get3A_106 = arith.index_cast %add3A_102 : i32 to index
        %get3A_107 = tpu.vector_load %arg11[%get3A_106] {strides = array<i32>} : memref<3072xf32, #tpu.memory_space<vmem>>, vector<16xf32>,
        %sub3A_108 = vector.broadcast %mul3A_32 : i32 to vector<16xi32>
        %sub3A_109 = arith.subi %get3A_103, %sub3A_108 : vector<16xi32>
        %ge3A = vector.broadcast %mul3A_32 : i32 to vector<16xi32>
        %ge3A_110 = arith.cmpi sge, %get3A_103, %ge3A : vector<16xi32>
        %lt3A_111 = arith.constant 5000 : i32
        %lt3A_112 = vector.broadcast %lt3A_111 : i32 to vector<16xi32>
        %lt3A_113 = arith.cmpi slt, %sub3A_109, %lt3A_112 : vector<16xi32>
        %and3A_114 = arith.andi %ge3A_110, %lt3A_113 : vector<16xi1>
        %broadcast_in_dim3A = arith.constant 0 : i32
        %broadcast_in_dim3A_115 = vector.broadcast %broadcast_in_dim3A : i32 to vector<16xi32>
        %add3A_116 = arith.constant 0 : i32
        %add3A_117 = vector.broadcast %add3A_116 : i32 to vector<16xi32>
        %add3A_118 = arith.addi %broadcast_in_dim3A_115, %add3A_117 : vector<16xi32>
        %gather3A = tpu.vector_load_idx %arg7[%add3A_118, %get3A_105] : memref<8x10000xf32, #tpu.memory_space<vmem>>[vector<16xi32>, vector<16xi32>], vector<16xf32>,
        %mul3A_119 = arith.mulf %gather3A, %get3A_107 : vector<16xf32>
        tpu.vector_store_idx %arg8[%add3A_118, %sub3A_109], %mul3A_119 masked %and3A_114 {add = true} : memref<8x5000xf32, #tpu.memory_space<vmem>>[vector<16xi32>, vector<16xi32>], vector<16xf32>, vector<16xi1>
        %broadcast_in_dim3A_120 = arith.constant 0 : i32
        %broadcast_in_dim3A_121 = vector.broadcast %broadcast_in_dim3A_120 : i32 to vector<16xi32>
        %add3A_122 = arith.constant 1 : i32
        %add3A_123 = vector.broadcast %add3A_122 : i32 to vector<16xi32>
        %add3A_124 = arith.addi %broadcast_in_dim3A_121, %add3A_123 : vector<16xi32>
        %gather3A_125 = tpu.vector_load_idx %arg7[%add3A_124, %get3A_105] : memref<8x10000xf32, #tpu.memory_space<vmem>>[vector<16xi32>, vector<16xi32>], vector<16xf32>,
        %mul3A_126 = arith.mulf %gather3A_125, %get3A_107 : vector<16xf32>
        tpu.vector_store_idx %arg8[%add3A_124, %sub3A_109], %mul3A_126 masked %and3A_114 {add = true} : memref<8x5000xf32, #tpu.memory_space<vmem>>[vector<16xi32>, vector<16xi32>], vector<16xf32>, vector<16xi1>
        %broadcast_in_dim3A_127 = arith.constant 0 : i32
        %broadcast_in_dim3A_128 = vector.broadcast %broadcast_in_dim3A_127 : i32 to vector<16xi32>
        %add3A_129 = arith.constant 2 : i32
        %add3A_130 = vector.broadcast %add3A_129 : i32 to vector<16xi32>
        %add3A_131 = arith.addi %broadcast_in_dim3A_128, %add3A_130 : vector<16xi32>
        %gather3A_132 = tpu.vector_load_idx %arg7[%add3A_131, %get3A_105] : memref<8x10000xf32, #tpu.memory_space<vmem>>[vector<16xi32>, vector<16xi32>], vector<16xf32>,
        %mul3A_133 = arith.mulf %gather3A_132, %get3A_107 : vector<16xf32>
        tpu.vector_store_idx %arg8[%add3A_131, %sub3A_109], %mul3A_133 masked %and3A_114 {add = true} : memref<8x5000xf32, #tpu.memory_space<vmem>>[vector<16xi32>, vector<16xi32>], vector<16xf32>, vector<16xi1>
        %broadcast_in_dim3A_134 = arith.constant 0 : i32
        %broadcast_in_dim3A_135 = vector.broadcast %broadcast_in_dim3A_134 : i32 to vector<16xi32>
        %add3A_136 = arith.constant 3 : i32
        %add3A_137 = vector.broadcast %add3A_136 : i32 to vector<16xi32>
        %add3A_138 = arith.addi %broadcast_in_dim3A_135, %add3A_137 : vector<16xi32>
        %gather3A_139 = tpu.vector_load_idx %arg7[%add3A_138, %get3A_105] : memref<8x10000xf32, #tpu.memory_space<vmem>>[vector<16xi32>, vector<16xi32>], vector<16xf32>,
        %mul3A_140 = arith.mulf %gather3A_139, %get3A_107 : vector<16xf32>
        tpu.vector_store_idx %arg8[%add3A_138, %sub3A_109], %mul3A_140 masked %and3A_114 {add = true} : memref<8x5000xf32, #tpu.memory_space<vmem>>[vector<16xi32>, vector<16xi32>], vector<16xf32>, vector<16xi1>
        %broadcast_in_dim3A_141 = arith.constant 0 : i32
        %broadcast_in_dim3A_142 = vector.broadcast %broadcast_in_dim3A_141 : i32 to vector<16xi32>
        %add3A_143 = arith.constant 4 : i32
        %add3A_144 = vector.broadcast %add3A_143 : i32 to vector<16xi32>
        %add3A_145 = arith.addi %broadcast_in_dim3A_142, %add3A_144 : vector<16xi32>
        %gather3A_146 = tpu.vector_load_idx %arg7[%add3A_145, %get3A_105] : memref<8x10000xf32, #tpu.memory_space<vmem>>[vector<16xi32>, vector<16xi32>], vector<16xf32>,
        %mul3A_147 = arith.mulf %gather3A_146, %get3A_107 : vector<16xf32>
        tpu.vector_store_idx %arg8[%add3A_145, %sub3A_109], %mul3A_147 masked %and3A_114 {add = true} : memref<8x5000xf32, #tpu.memory_space<vmem>>[vector<16xi32>, vector<16xi32>], vector<16xf32>, vector<16xi1>
        %broadcast_in_dim3A_148 = arith.constant 0 : i32
        %broadcast_in_dim3A_149 = vector.broadcast %broadcast_in_dim3A_148 : i32 to vector<16xi32>
        %add3A_150 = arith.constant 5 : i32
        %add3A_151 = vector.broadcast %add3A_150 : i32 to vector<16xi32>
        %add3A_152 = arith.addi %broadcast_in_dim3A_149, %add3A_151 : vector<16xi32>
        %gather3A_153 = tpu.vector_load_idx %arg7[%add3A_152, %get3A_105] : memref<8x10000xf32, #tpu.memory_space<vmem>>[vector<16xi32>, vector<16xi32>], vector<16xf32>,
        %mul3A_154 = arith.mulf %gather3A_153, %get3A_107 : vector<16xf32>
        tpu.vector_store_idx %arg8[%add3A_152, %sub3A_109], %mul3A_154 masked %and3A_114 {add = true} : memref<8x5000xf32, #tpu.memory_space<vmem>>[vector<16xi32>, vector<16xi32>], vector<16xf32>, vector<16xi1>
        %broadcast_in_dim3A_155 = arith.constant 0 : i32
        %broadcast_in_dim3A_156 = vector.broadcast %broadcast_in_dim3A_155 : i32 to vector<16xi32>
        %add3A_157 = arith.constant 6 : i32
        %add3A_158 = vector.broadcast %add3A_157 : i32 to vector<16xi32>
        %add3A_159 = arith.addi %broadcast_in_dim3A_156, %add3A_158 : vector<16xi32>
        %gather3A_160 = tpu.vector_load_idx %arg7[%add3A_159, %get3A_105] : memref<8x10000xf32, #tpu.memory_space<vmem>>[vector<16xi32>, vector<16xi32>], vector<16xf32>,
        %mul3A_161 = arith.mulf %gather3A_160, %get3A_107 : vector<16xf32>
        tpu.vector_store_idx %arg8[%add3A_159, %sub3A_109], %mul3A_161 masked %and3A_114 {add = true} : memref<8x5000xf32, #tpu.memory_space<vmem>>[vector<16xi32>, vector<16xi32>], vector<16xf32>, vector<16xi1>
        %broadcast_in_dim3A_162 = arith.constant 0 : i32
        %broadcast_in_dim3A_163 = vector.broadcast %broadcast_in_dim3A_162 : i32 to vector<16xi32>
        %add3A_164 = arith.constant 7 : i32
        %add3A_165 = vector.broadcast %add3A_164 : i32 to vector<16xi32>
        %add3A_166 = arith.addi %broadcast_in_dim3A_163, %add3A_165 : vector<16xi32>
        %gather3A_167 = tpu.vector_load_idx %arg7[%add3A_166, %get3A_105] : memref<8x10000xf32, #tpu.memory_space<vmem>>[vector<16xi32>, vector<16xi32>], vector<16xf32>,
        %mul3A_168 = arith.mulf %gather3A_167, %get3A_107 : vector<16xf32>
        tpu.vector_store_idx %arg8[%add3A_166, %sub3A_109], %mul3A_168 masked %and3A_114 {add = true} : memref<8x5000xf32, #tpu.memory_space<vmem>>[vector<16xi32>, vector<16xi32>], vector<16xf32>, vector<16xi1>
      }
      %scan3A_97 = arith.constant 192 : i32
    }
    %scan3A_78 = arith.constant 52 : i32
    "tpu.region"() ({
      %run_scoped3A = tpu.sem_alloc : memref<!tpu.dma_semaphore, #tpu.memory_space<semaphore_mem>>
      %dma_start3A = arith.constant 0 : i32
      %dma_start3A_86 = tpu.memref_slice %arg9[%dma_start3A] : memref<3072xi32, #tpu.memory_space<vmem>> -> memref<256xi32, #tpu.memory_space<vmem>>
      %dma_start3A_87 = arith.constant 159744 : i32
      %dma_start3A_88 = tpu.memref_slice %arg3[%dma_start3A_87] : memref<160000xi32, #tpu.memory_space<hbm>> -> memref<256xi32, #tpu.memory_space<hbm>>
      %dma_start3A_89 = arith.constant 0 : i32
      %dma_start3A_90 = tpu.memref_slice %arg9[%dma_start3A_89] : memref<3072xi32, #tpu.memory_space<vmem>> -> memref<256xi32, #tpu.memory_space<vmem>>
      %dma_start3A_91 = arith.constant 159744 : i32
      %dma_start3A_92 = tpu.memref_slice %arg3[%dma_start3A_91] : memref<160000xi32, #tpu.memory_space<hbm>> -> memref<256xi32, #tpu.memory_space<hbm>>
      tpu.enqueue_dma source(%dma_start3A_92 : memref<256xi32, #tpu.memory_space<hbm>>) target(%dma_start3A_90 : memref<256xi32, #tpu.memory_space<vmem>>) target_semaphore(%run_scoped3A : memref<!tpu.dma_semaphore, #tpu.memory_space<semaphore_mem>>)
      %dma_wait3A = arith.constant 0 : i32
      %dma_wait3A_93 = tpu.memref_slice %arg9[%dma_wait3A] : memref<3072xi32, #tpu.memory_space<vmem>> -> memref<256xi32, #tpu.memory_space<vmem>>
      %dma_wait3A_94 = arith.constant 159744 : i32
      %dma_wait3A_95 = tpu.memref_slice %arg3[%dma_wait3A_94] : memref<160000xi32, #tpu.memory_space<hbm>> -> memref<256xi32, #tpu.memory_space<hbm>>
      %dma_wait3A_96 = arith.constant 0 : i32
      %dma_wait3A_97 = tpu.memref_slice %arg9[%dma_wait3A_96] : memref<3072xi32, #tpu.memory_space<vmem>> -> memref<256xi32, #tpu.memory_space<vmem>>
      %dma_wait3A_98 = arith.constant 159744 : i32
      %dma_wait3A_99 = tpu.memref_slice %arg3[%dma_wait3A_98] : memref<160000xi32, #tpu.memory_space<hbm>> -> memref<256xi32, #tpu.memory_space<hbm>>
      tpu.wait_dma2 semaphore(%run_scoped3A : memref<!tpu.dma_semaphore, #tpu.memory_space<semaphore_mem>>) src(%dma_wait3A_99 : memref<256xi32, #tpu.memory_space<hbm>>) dst(%dma_wait3A_97 : memref<256xi32, #tpu.memory_space<vmem>>)
      tpu.yield
    }) : () -> ()
    "tpu.region"() ({
      %run_scoped3A = tpu.sem_alloc : memref<!tpu.dma_semaphore, #tpu.memory_space<semaphore_mem>>
      %dma_start3A = arith.constant 0 : i32
      %dma_start3A_86 = tpu.memref_slice %arg10[%dma_start3A] : memref<3072xi32, #tpu.memory_space<vmem>> -> memref<256xi32, #tpu.memory_space<vmem>>
      %dma_start3A_87 = arith.constant 159744 : i32
      %dma_start3A_88 = tpu.memref_slice %arg4[%dma_start3A_87] : memref<160000xi32, #tpu.memory_space<hbm>> -> memref<256xi32, #tpu.memory_space<hbm>>
      %dma_start3A_89 = arith.constant 0 : i32
      %dma_start3A_90 = tpu.memref_slice %arg10[%dma_start3A_89] : memref<3072xi32, #tpu.memory_space<vmem>> -> memref<256xi32, #tpu.memory_space<vmem>>
      %dma_start3A_91 = arith.constant 159744 : i32
      %dma_start3A_92 = tpu.memref_slice %arg4[%dma_start3A_91] : memref<160000xi32, #tpu.memory_space<hbm>> -> memref<256xi32, #tpu.memory_space<hbm>>
      tpu.enqueue_dma source(%dma_start3A_92 : memref<256xi32, #tpu.memory_space<hbm>>) target(%dma_start3A_90 : memref<256xi32, #tpu.memory_space<vmem>>) target_semaphore(%run_scoped3A : memref<!tpu.dma_semaphore, #tpu.memory_space<semaphore_mem>>)
      %dma_wait3A = arith.constant 0 : i32
      %dma_wait3A_93 = tpu.memref_slice %arg10[%dma_wait3A] : memref<3072xi32, #tpu.memory_space<vmem>> -> memref<256xi32, #tpu.memory_space<vmem>>
      %dma_wait3A_94 = arith.constant 159744 : i32
      %dma_wait3A_95 = tpu.memref_slice %arg4[%dma_wait3A_94] : memref<160000xi32, #tpu.memory_space<hbm>> -> memref<256xi32, #tpu.memory_space<hbm>>
      %dma_wait3A_96 = arith.constant 0 : i32
      %dma_wait3A_97 = tpu.memref_slice %arg10[%dma_wait3A_96] : memref<3072xi32, #tpu.memory_space<vmem>> -> memref<256xi32, #tpu.memory_space<vmem>>
      %dma_wait3A_98 = arith.constant 159744 : i32
      %dma_wait3A_99 = tpu.memref_slice %arg4[%dma_wait3A_98] : memref<160000xi32, #tpu.memory_space<hbm>> -> memref<256xi32, #tpu.memory_space<hbm>>
      tpu.wait_dma2 semaphore(%run_scoped3A : memref<!tpu.dma_semaphore, #tpu.memory_space<semaphore_mem>>) src(%dma_wait3A_99 : memref<256xi32, #tpu.memory_space<hbm>>) dst(%dma_wait3A_97 : memref<256xi32, #tpu.memory_space<vmem>>)
      tpu.yield
    }) : () -> ()
    "tpu.region"() ({
      %run_scoped3A = tpu.sem_alloc : memref<!tpu.dma_semaphore, #tpu.memory_space<semaphore_mem>>
      %dma_start3A = arith.constant 0 : i32
      %dma_start3A_86 = tpu.memref_slice %arg11[%dma_start3A] : memref<3072xf32, #tpu.memory_space<vmem>> -> memref<256xf32, #tpu.memory_space<vmem>>
      %dma_start3A_87 = arith.constant 159744 : i32
      %dma_start3A_88 = tpu.memref_slice %arg5[%dma_start3A_87] : memref<160000xf32, #tpu.memory_space<hbm>> -> memref<256xf32, #tpu.memory_space<hbm>>
      %dma_start3A_89 = arith.constant 0 : i32
      %dma_start3A_90 = tpu.memref_slice %arg11[%dma_start3A_89] : memref<3072xf32, #tpu.memory_space<vmem>> -> memref<256xf32, #tpu.memory_space<vmem>>
      %dma_start3A_91 = arith.constant 159744 : i32
      %dma_start3A_92 = tpu.memref_slice %arg5[%dma_start3A_91] : memref<160000xf32, #tpu.memory_space<hbm>> -> memref<256xf32, #tpu.memory_space<hbm>>
      tpu.enqueue_dma source(%dma_start3A_92 : memref<256xf32, #tpu.memory_space<hbm>>) target(%dma_start3A_90 : memref<256xf32, #tpu.memory_space<vmem>>) target_semaphore(%run_scoped3A : memref<!tpu.dma_semaphore, #tpu.memory_space<semaphore_mem>>)
      %dma_wait3A = arith.constant 0 : i32
      %dma_wait3A_93 = tpu.memref_slice %arg11[%dma_wait3A] : memref<3072xf32, #tpu.memory_space<vmem>> -> memref<256xf32, #tpu.memory_space<vmem>>
      %dma_wait3A_94 = arith.constant 159744 : i32
      %dma_wait3A_95 = tpu.memref_slice %arg5[%dma_wait3A_94] : memref<160000xf32, #tpu.memory_space<hbm>> -> memref<256xf32, #tpu.memory_space<hbm>>
      %dma_wait3A_96 = arith.constant 0 : i32
      %dma_wait3A_97 = tpu.memref_slice %arg11[%dma_wait3A_96] : memref<3072xf32, #tpu.memory_space<vmem>> -> memref<256xf32, #tpu.memory_space<vmem>>
      %dma_wait3A_98 = arith.constant 159744 : i32
      %dma_wait3A_99 = tpu.memref_slice %arg5[%dma_wait3A_98] : memref<160000xf32, #tpu.memory_space<hbm>> -> memref<256xf32, #tpu.memory_space<hbm>>
      tpu.wait_dma2 semaphore(%run_scoped3A : memref<!tpu.dma_semaphore, #tpu.memory_space<semaphore_mem>>) src(%dma_wait3A_99 : memref<256xf32, #tpu.memory_space<hbm>>) dst(%dma_wait3A_97 : memref<256xf32, #tpu.memory_space<vmem>>)
      tpu.yield
    }) : () -> ()
    %scan3A_79 = arith.constant 0 : i32
    %scan3A_80 = arith.constant 16 : i32
    %scan3A_81 = arith.addi %scan3A_79, %scan3A_80 : i32
    %scan3A_82 = arith.constant 1 : i32
    scf.for %scan3A_86 = %scan3A_79 to %scan3A_81 step %scan3A_82  : i32 {
      %mul3A_87 = arith.constant 16 : i32
      %mul3A_88 = arith.muli %scan3A_86, %mul3A_87 : i32
      %add3A_89 = arith.constant 0 : i32
      %add3A_90 = arith.addi %add3A_89, %mul3A_88 : i32
      %get3A = arith.index_cast %add3A_90 : i32 to index
      %get3A_91 = tpu.vector_load %arg9[%get3A] {strides = array<i32>} : memref<3072xi32, #tpu.memory_space<vmem>>, vector<16xi32>,
      %get3A_92 = arith.index_cast %add3A_90 : i32 to index
      %get3A_93 = tpu.vector_load %arg10[%get3A_92] {strides = array<i32>} : memref<3072xi32, #tpu.memory_space<vmem>>, vector<16xi32>,
      %get3A_94 = arith.index_cast %add3A_90 : i32 to index
      %get3A_95 = tpu.vector_load %arg11[%get3A_94] {strides = array<i32>} : memref<3072xf32, #tpu.memory_space<vmem>>, vector<16xf32>,
      %sub3A_96 = vector.broadcast %mul3A_32 : i32 to vector<16xi32>
      %sub3A_97 = arith.subi %get3A_91, %sub3A_96 : vector<16xi32>
      %ge3A = vector.broadcast %mul3A_32 : i32 to vector<16xi32>
      %ge3A_98 = arith.cmpi sge, %get3A_91, %ge3A : vector<16xi32>
      %lt3A_99 = arith.constant 5000 : i32
      %lt3A_100 = vector.broadcast %lt3A_99 : i32 to vector<16xi32>
      %lt3A_101 = arith.cmpi slt, %sub3A_97, %lt3A_100 : vector<16xi32>
      %and3A_102 = arith.andi %ge3A_98, %lt3A_101 : vector<16xi1>
      %broadcast_in_dim3A = arith.constant 0 : i32
      %broadcast_in_dim3A_103 = vector.broadcast %broadcast_in_dim3A : i32 to vector<16xi32>
      %add3A_104 = arith.constant 0 : i32
      %add3A_105 = vector.broadcast %add3A_104 : i32 to vector<16xi32>
      %add3A_106 = arith.addi %broadcast_in_dim3A_103, %add3A_105 : vector<16xi32>
      %gather3A = tpu.vector_load_idx %arg7[%add3A_106, %get3A_93] : memref<8x10000xf32, #tpu.memory_space<vmem>>[vector<16xi32>, vector<16xi32>], vector<16xf32>,
      %mul3A_107 = arith.mulf %gather3A, %get3A_95 : vector<16xf32>
      tpu.vector_store_idx %arg8[%add3A_106, %sub3A_97], %mul3A_107 masked %and3A_102 {add = true} : memref<8x5000xf32, #tpu.memory_space<vmem>>[vector<16xi32>, vector<16xi32>], vector<16xf32>, vector<16xi1>
      %broadcast_in_dim3A_108 = arith.constant 0 : i32
      %broadcast_in_dim3A_109 = vector.broadcast %broadcast_in_dim3A_108 : i32 to vector<16xi32>
      %add3A_110 = arith.constant 1 : i32
      %add3A_111 = vector.broadcast %add3A_110 : i32 to vector<16xi32>
      %add3A_112 = arith.addi %broadcast_in_dim3A_109, %add3A_111 : vector<16xi32>
      %gather3A_113 = tpu.vector_load_idx %arg7[%add3A_112, %get3A_93] : memref<8x10000xf32, #tpu.memory_space<vmem>>[vector<16xi32>, vector<16xi32>], vector<16xf32>,
      %mul3A_114 = arith.mulf %gather3A_113, %get3A_95 : vector<16xf32>
      tpu.vector_store_idx %arg8[%add3A_112, %sub3A_97], %mul3A_114 masked %and3A_102 {add = true} : memref<8x5000xf32, #tpu.memory_space<vmem>>[vector<16xi32>, vector<16xi32>], vector<16xf32>, vector<16xi1>
      %broadcast_in_dim3A_115 = arith.constant 0 : i32
      %broadcast_in_dim3A_116 = vector.broadcast %broadcast_in_dim3A_115 : i32 to vector<16xi32>
      %add3A_117 = arith.constant 2 : i32
      %add3A_118 = vector.broadcast %add3A_117 : i32 to vector<16xi32>
      %add3A_119 = arith.addi %broadcast_in_dim3A_116, %add3A_118 : vector<16xi32>
      %gather3A_120 = tpu.vector_load_idx %arg7[%add3A_119, %get3A_93] : memref<8x10000xf32, #tpu.memory_space<vmem>>[vector<16xi32>, vector<16xi32>], vector<16xf32>,
      %mul3A_121 = arith.mulf %gather3A_120, %get3A_95 : vector<16xf32>
      tpu.vector_store_idx %arg8[%add3A_119, %sub3A_97], %mul3A_121 masked %and3A_102 {add = true} : memref<8x5000xf32, #tpu.memory_space<vmem>>[vector<16xi32>, vector<16xi32>], vector<16xf32>, vector<16xi1>
      %broadcast_in_dim3A_122 = arith.constant 0 : i32
      %broadcast_in_dim3A_123 = vector.broadcast %broadcast_in_dim3A_122 : i32 to vector<16xi32>
      %add3A_124 = arith.constant 3 : i32
      %add3A_125 = vector.broadcast %add3A_124 : i32 to vector<16xi32>
      %add3A_126 = arith.addi %broadcast_in_dim3A_123, %add3A_125 : vector<16xi32>
      %gather3A_127 = tpu.vector_load_idx %arg7[%add3A_126, %get3A_93] : memref<8x10000xf32, #tpu.memory_space<vmem>>[vector<16xi32>, vector<16xi32>], vector<16xf32>,
      %mul3A_128 = arith.mulf %gather3A_127, %get3A_95 : vector<16xf32>
      tpu.vector_store_idx %arg8[%add3A_126, %sub3A_97], %mul3A_128 masked %and3A_102 {add = true} : memref<8x5000xf32, #tpu.memory_space<vmem>>[vector<16xi32>, vector<16xi32>], vector<16xf32>, vector<16xi1>
      %broadcast_in_dim3A_129 = arith.constant 0 : i32
      %broadcast_in_dim3A_130 = vector.broadcast %broadcast_in_dim3A_129 : i32 to vector<16xi32>
      %add3A_131 = arith.constant 4 : i32
      %add3A_132 = vector.broadcast %add3A_131 : i32 to vector<16xi32>
      %add3A_133 = arith.addi %broadcast_in_dim3A_130, %add3A_132 : vector<16xi32>
      %gather3A_134 = tpu.vector_load_idx %arg7[%add3A_133, %get3A_93] : memref<8x10000xf32, #tpu.memory_space<vmem>>[vector<16xi32>, vector<16xi32>], vector<16xf32>,
      %mul3A_135 = arith.mulf %gather3A_134, %get3A_95 : vector<16xf32>
      tpu.vector_store_idx %arg8[%add3A_133, %sub3A_97], %mul3A_135 masked %and3A_102 {add = true} : memref<8x5000xf32, #tpu.memory_space<vmem>>[vector<16xi32>, vector<16xi32>], vector<16xf32>, vector<16xi1>
      %broadcast_in_dim3A_136 = arith.constant 0 : i32
      %broadcast_in_dim3A_137 = vector.broadcast %broadcast_in_dim3A_136 : i32 to vector<16xi32>
      %add3A_138 = arith.constant 5 : i32
      %add3A_139 = vector.broadcast %add3A_138 : i32 to vector<16xi32>
      %add3A_140 = arith.addi %broadcast_in_dim3A_137, %add3A_139 : vector<16xi32>
      %gather3A_141 = tpu.vector_load_idx %arg7[%add3A_140, %get3A_93] : memref<8x10000xf32, #tpu.memory_space<vmem>>[vector<16xi32>, vector<16xi32>], vector<16xf32>,
      %mul3A_142 = arith.mulf %gather3A_141, %get3A_95 : vector<16xf32>
      tpu.vector_store_idx %arg8[%add3A_140, %sub3A_97], %mul3A_142 masked %and3A_102 {add = true} : memref<8x5000xf32, #tpu.memory_space<vmem>>[vector<16xi32>, vector<16xi32>], vector<16xf32>, vector<16xi1>
      %broadcast_in_dim3A_143 = arith.constant 0 : i32
      %broadcast_in_dim3A_144 = vector.broadcast %broadcast_in_dim3A_143 : i32 to vector<16xi32>
      %add3A_145 = arith.constant 6 : i32
      %add3A_146 = vector.broadcast %add3A_145 : i32 to vector<16xi32>
      %add3A_147 = arith.addi %broadcast_in_dim3A_144, %add3A_146 : vector<16xi32>
      %gather3A_148 = tpu.vector_load_idx %arg7[%add3A_147, %get3A_93] : memref<8x10000xf32, #tpu.memory_space<vmem>>[vector<16xi32>, vector<16xi32>], vector<16xf32>,
      %mul3A_149 = arith.mulf %gather3A_148, %get3A_95 : vector<16xf32>
      tpu.vector_store_idx %arg8[%add3A_147, %sub3A_97], %mul3A_149 masked %and3A_102 {add = true} : memref<8x5000xf32, #tpu.memory_space<vmem>>[vector<16xi32>, vector<16xi32>], vector<16xf32>, vector<16xi1>
      %broadcast_in_dim3A_150 = arith.constant 0 : i32
      %broadcast_in_dim3A_151 = vector.broadcast %broadcast_in_dim3A_150 : i32 to vector<16xi32>
      %add3A_152 = arith.constant 7 : i32
      %add3A_153 = vector.broadcast %add3A_152 : i32 to vector<16xi32>
      %add3A_154 = arith.addi %broadcast_in_dim3A_151, %add3A_153 : vector<16xi32>
      %gather3A_155 = tpu.vector_load_idx %arg7[%add3A_154, %get3A_93] : memref<8x10000xf32, #tpu.memory_space<vmem>>[vector<16xi32>, vector<16xi32>], vector<16xf32>,
      %mul3A_156 = arith.mulf %gather3A_155, %get3A_95 : vector<16xf32>
      tpu.vector_store_idx %arg8[%add3A_154, %sub3A_97], %mul3A_156 masked %and3A_102 {add = true} : memref<8x5000xf32, #tpu.memory_space<vmem>>[vector<16xi32>, vector<16xi32>], vector<16xf32>, vector<16xi1>
    }
    %scan3A_83 = arith.constant 16 : i32
    %mul3A_84 = arith.constant 8 : i32
    %mul3A_85 = arith.muli %select_n3A_9, %mul3A_84 : i32
    "tpu.region"() ({
      %run_scoped3A = tpu.sem_alloc : memref<!tpu.dma_semaphore, #tpu.memory_space<semaphore_mem>>
      %dma_start3A = arith.constant 0 : i32
      %dma_start3A_86 = tpu.memref_slice %arg6[%select_n3A_30, %mul3A_85, %dma_start3A] : memref<2x128x5000xf32, #tpu.memory_space<hbm>> -> memref<1x8x5000xf32, #tpu.memory_space<hbm>>
      %dma_start3A_87 = tpu.memref_squeeze %dma_start3A_86 : memref<1x8x5000xf32, #tpu.memory_space<hbm>> -> memref<8x5000xf32, #tpu.memory_space<hbm>>
      %dma_start3A_88 = arith.constant 0 : i32
      %dma_start3A_89 = tpu.memref_slice %arg6[%select_n3A_30, %mul3A_85, %dma_start3A_88] : memref<2x128x5000xf32, #tpu.memory_space<hbm>> -> memref<1x8x5000xf32, #tpu.memory_space<hbm>>
      %dma_start3A_90 = tpu.memref_squeeze %dma_start3A_89 : memref<1x8x5000xf32, #tpu.memory_space<hbm>> -> memref<8x5000xf32, #tpu.memory_space<hbm>>
      tpu.enqueue_dma source(%arg8 : memref<8x5000xf32, #tpu.memory_space<vmem>>) target(%dma_start3A_90 : memref<8x5000xf32, #tpu.memory_space<hbm>>) target_semaphore(%run_scoped3A : memref<!tpu.dma_semaphore, #tpu.memory_space<semaphore_mem>>)
      %dma_wait3A = arith.constant 0 : i32
      %dma_wait3A_91 = tpu.memref_slice %arg6[%select_n3A_30, %mul3A_85, %dma_wait3A] : memref<2x128x5000xf32, #tpu.memory_space<hbm>> -> memref<1x8x5000xf32, #tpu.memory_space<hbm>>
      %dma_wait3A_92 = tpu.memref_squeeze %dma_wait3A_91 : memref<1x8x5000xf32, #tpu.memory_space<hbm>> -> memref<8x5000xf32, #tpu.memory_space<hbm>>
      %dma_wait3A_93 = arith.constant 0 : i32
      %dma_wait3A_94 = tpu.memref_slice %arg6[%select_n3A_30, %mul3A_85, %dma_wait3A_93] : memref<2x128x5000xf32, #tpu.memory_space<hbm>> -> memref<1x8x5000xf32, #tpu.memory_space<hbm>>
      %dma_wait3A_95 = tpu.memref_squeeze %dma_wait3A_94 : memref<1x8x5000xf32, #tpu.memory_space<hbm>> -> memref<8x5000xf32, #tpu.memory_space<hbm>>
      tpu.wait_dma2 semaphore(%run_scoped3A : memref<!tpu.dma_semaphore, #tpu.memory_space<semaphore_mem>>) src(%arg8 : memref<8x5000xf32, #tpu.memory_space<vmem>>) dst(%dma_wait3A_95 : memref<8x5000xf32, #tpu.memory_space<hbm>>)
      tpu.yield
    }) : () -> ()
    return
  }
}

module attributes {stable_mosaic.version = 14 : i64} {
  func.func @_prologue_body(%arg0: i32, %arg1: memref<1000x128xf32, #tpu.memory_space<vmem>>, %arg2: memref<128x128xf32, #tpu.memory_space<vmem>>, %arg3: memref<1x128xf32, #tpu.memory_space<vmem>>, %arg4: memref<1x128xf32, #tpu.memory_space<vmem>>, %arg5: memref<1000x128xf32, #tpu.memory_space<vmem>>, %arg6: memref<1000x1xf32, #tpu.memory_space<vmem>>, %arg7: memref<1000x1xf32, #tpu.memory_space<vmem>>, %arg8: memref<1x128xf32, #tpu.memory_space<vmem>>) attributes {dimension_semantics = [#tpu.dimension_semantics<arbitrary>], iteration_bounds = array<i64: 10>, scalar_prefetch = 0 : i64, scratch_operands = 0 : i64, tpu.core_type = #tpu.core_type<tc>, window_params = [{transform_indices = @transform_0, window_bounds = array<i64: 1000, 128>}, {pipeline_mode = #tpu.pipeline_mode<synchronous>, transform_indices = @transform_1, window_bounds = array<i64: 128, 128>}, {pipeline_mode = #tpu.pipeline_mode<synchronous>, transform_indices = @transform_2, window_bounds = array<i64: 1, 128>}, {pipeline_mode = #tpu.pipeline_mode<synchronous>, transform_indices = @transform_3, window_bounds = array<i64: 1, 128>}, {transform_indices = @transform_4, window_bounds = array<i64: 1000, 128>}, {transform_indices = @transform_5, window_bounds = array<i64: 1000, 1>}, {transform_indices = @transform_6, window_bounds = array<i64: 1000, 1>}, {pipeline_mode = #tpu.pipeline_mode<synchronous>, transform_indices = @transform_7, window_bounds = array<i64: 1, 128>}]} {
    %get3A = arith.constant 0 : index
    %get3A_0 = arith.constant 0 : index
    %get3A_1 = vector.load %arg1[%get3A, %get3A_0] : memref<1000x128xf32, #tpu.memory_space<vmem>>, vector<1000x128xf32>
    %get3A_2 = arith.constant 0 : index
    %get3A_3 = arith.constant 0 : index
    %get3A_4 = vector.load %arg2[%get3A_2, %get3A_3] : memref<128x128xf32, #tpu.memory_space<vmem>>, vector<128x128xf32>
    %dot_general3A = arith.constant dense<0.000000e+00> : vector<1000x128xf32>
    %dot_general3A_5 = tpu.matmul %get3A_1, %get3A_4, %dot_general3A {dimension_numbers = #tpu.dot_dimension_numbers<[1], [0], [0], [1], [0, 0, 1, 1], [], []>, transpose_lhs_hint = false} : vector<1000x128xf32>, vector<128x128xf32>, vector<1000x128xf32> -> vector<1000x128xf32>
    %swap3A = arith.constant 0 : index
    %swap3A_6 = arith.constant 0 : index
    %swap3A_7 = vector.load %arg5[%swap3A, %swap3A_6] : memref<1000x128xf32, #tpu.memory_space<vmem>>, vector<1000x128xf32>
    tpu.vector_store %arg5[%swap3A, %swap3A_6], %dot_general3A_5 {strides = array<i32>} : memref<1000x128xf32, #tpu.memory_space<vmem>>, vector<1000x128xf32>,
    %get3A_8 = arith.constant 0 : index
    %get3A_9 = arith.constant 0 : index
    %get3A_10 = vector.load %arg3[%get3A_8, %get3A_9] : memref<1x128xf32, #tpu.memory_space<vmem>>, vector<1x128xf32>
    %mul3A = vector.broadcast %get3A_10 : vector<1x128xf32> to vector<1000x128xf32>
    %mul3A_11 = arith.mulf %dot_general3A_5, %mul3A : vector<1000x128xf32>
    %reduce_sum3A = arith.constant dense<0.000000e+00> : vector<1000xf32>
    %reduce_sum3A_12 = vector.multi_reduction <add>, %mul3A_11, %reduce_sum3A [1] : vector<1000x128xf32> to vector<1000xf32>
    %broadcast_in_dim3A = vector.shape_cast %reduce_sum3A_12 : vector<1000xf32> to vector<1000x1xf32>
    %swap3A_13 = arith.constant 0 : index
    %swap3A_14 = arith.constant 0 : index
    %swap3A_15 = vector.load %arg6[%swap3A_13, %swap3A_14] : memref<1000x1xf32, #tpu.memory_space<vmem>>, vector<1000x1xf32>
    tpu.vector_store %arg6[%swap3A_13, %swap3A_14], %broadcast_in_dim3A {strides = array<i32>} : memref<1000x1xf32, #tpu.memory_space<vmem>>, vector<1000x1xf32>,
    %get3A_16 = arith.constant 0 : index
    %get3A_17 = arith.constant 0 : index
    %get3A_18 = vector.load %arg4[%get3A_16, %get3A_17] : memref<1x128xf32, #tpu.memory_space<vmem>>, vector<1x128xf32>
    %mul3A_19 = vector.broadcast %get3A_18 : vector<1x128xf32> to vector<1000x128xf32>
    %mul3A_20 = arith.mulf %dot_general3A_5, %mul3A_19 : vector<1000x128xf32>
    %reduce_sum3A_21 = arith.constant dense<0.000000e+00> : vector<1000xf32>
    %reduce_sum3A_22 = vector.multi_reduction <add>, %mul3A_20, %reduce_sum3A_21 [1] : vector<1000x128xf32> to vector<1000xf32>
    %broadcast_in_dim3A_23 = vector.shape_cast %reduce_sum3A_22 : vector<1000xf32> to vector<1000x1xf32>
    %swap3A_24 = arith.constant 0 : index
    %swap3A_25 = arith.constant 0 : index
    %swap3A_26 = vector.load %arg7[%swap3A_24, %swap3A_25] : memref<1000x1xf32, #tpu.memory_space<vmem>>, vector<1000x1xf32>
    tpu.vector_store %arg7[%swap3A_24, %swap3A_25], %broadcast_in_dim3A_23 {strides = array<i32>} : memref<1000x1xf32, #tpu.memory_space<vmem>>, vector<1000x1xf32>,
    %eq3A = arith.constant 0 : i32
    %eq3A_27 = arith.cmpi eq, %arg0, %eq3A : i32
    %convert_element_type3A = arith.extui %eq3A_27 : i1 to i32
    %cond3A = arith.constant 0 : i32
    %cond3A_28 = arith.cmpi ne, %convert_element_type3A, %cond3A : i32
    scf.if %cond3A_28 {
      %broadcast_in_dim3A_38 = arith.constant 0.000000e+00 : f32
      %broadcast_in_dim3A_39 = vector.broadcast %broadcast_in_dim3A_38 : f32 to vector<1x128xf32>
      %swap3A_40 = arith.constant 0 : index
      %swap3A_41 = arith.constant 0 : index
      %swap3A_42 = vector.load %arg8[%swap3A_40, %swap3A_41] : memref<1x128xf32, #tpu.memory_space<vmem>>, vector<1x128xf32>
      tpu.vector_store %arg8[%swap3A_40, %swap3A_41], %broadcast_in_dim3A_39 {strides = array<i32>} : memref<1x128xf32, #tpu.memory_space<vmem>>, vector<1x128xf32>,
    } else {
    }
    %get3A_29 = arith.constant 0 : index
    %get3A_30 = arith.constant 0 : index
    %get3A_31 = vector.load %arg8[%get3A_29, %get3A_30] : memref<1x128xf32, #tpu.memory_space<vmem>>, vector<1x128xf32>
    %reduce_sum3A_32 = arith.constant dense<0.000000e+00> : vector<128xf32>
    %reduce_sum3A_33 = vector.multi_reduction <add>, %dot_general3A_5, %reduce_sum3A_32 [0] : vector<1000x128xf32> to vector<128xf32>
    %broadcast_in_dim3A_34 = vector.shape_cast %reduce_sum3A_33 : vector<128xf32> to vector<1x128xf32>
    %add3A = arith.addf %get3A_31, %broadcast_in_dim3A_34 : vector<1x128xf32>
    %swap3A_35 = arith.constant 0 : index
    %swap3A_36 = arith.constant 0 : index
    %swap3A_37 = vector.load %arg8[%swap3A_35, %swap3A_36] : memref<1x128xf32, #tpu.memory_space<vmem>>, vector<1x128xf32>
    tpu.vector_store %arg8[%swap3A_35, %swap3A_36], %add3A {strides = array<i32>} : memref<1x128xf32, #tpu.memory_space<vmem>>, vector<1x128xf32>,
    return
  }
  func.func @transform_0(%arg0: i32) -> (i32, i32) {
    %c0_i32 = arith.constant 0 : i32
    %c0_i32_0 = arith.constant 0 : i32
    return %arg0, %c0_i32 : i32, i32
  }
  func.func @transform_1(%arg0: i32) -> (i32, i32) {
    %c0_i32 = arith.constant 0 : i32
    %c0_i32_0 = arith.constant 0 : i32
    %c0_i32_1 = arith.constant 0 : i32
    return %c0_i32, %c0_i32_0 : i32, i32
  }
  func.func @transform_2(%arg0: i32) -> (i32, i32) {
    %c0_i32 = arith.constant 0 : i32
    %c0_i32_0 = arith.constant 0 : i32
    %c0_i32_1 = arith.constant 0 : i32
    return %c0_i32, %c0_i32_0 : i32, i32
  }
  func.func @transform_3(%arg0: i32) -> (i32, i32) {
    %c0_i32 = arith.constant 0 : i32
    %c0_i32_0 = arith.constant 0 : i32
    %c0_i32_1 = arith.constant 0 : i32
    return %c0_i32, %c0_i32_0 : i32, i32
  }
  func.func @transform_4(%arg0: i32) -> (i32, i32) {
    %c0_i32 = arith.constant 0 : i32
    %c0_i32_0 = arith.constant 0 : i32
    return %arg0, %c0_i32 : i32, i32
  }
  func.func @transform_5(%arg0: i32) -> (i32, i32) {
    %c0_i32 = arith.constant 0 : i32
    %c0_i32_0 = arith.constant 0 : i32
    return %arg0, %c0_i32 : i32, i32
  }
  func.func @transform_6(%arg0: i32) -> (i32, i32) {
    %c0_i32 = arith.constant 0 : i32
    %c0_i32_0 = arith.constant 0 : i32
    return %arg0, %c0_i32 : i32, i32
  }
  func.func @transform_7(%arg0: i32) -> (i32, i32) {
    %c0_i32 = arith.constant 0 : i32
    %c0_i32_0 = arith.constant 0 : i32
    %c0_i32_1 = arith.constant 0 : i32
    return %c0_i32, %c0_i32_0 : i32, i32
  }
}

module attributes {stable_mosaic.version = 14 : i64} {
  func.func @_epilogue_body(%arg0: i32, %arg1: memref<1000x128xf32, #tpu.memory_space<vmem>>, %arg2: memref<1000x16xf32, #tpu.memory_space<vmem>>, %arg3: memref<1x128xf32, #tpu.memory_space<vmem>>, %arg4: memref<1x128xf32, #tpu.memory_space<vmem>>, %arg5: memref<1000x128xf32, #tpu.memory_space<vmem>>) attributes {dimension_semantics = [#tpu.dimension_semantics<arbitrary>], iteration_bounds = array<i64: 10>, scalar_prefetch = 0 : i64, scratch_operands = 0 : i64, tpu.core_type = #tpu.core_type<tc>, window_params = [{transform_indices = @transform_0, window_bounds = array<i64: 1000, 128>}, {transform_indices = @transform_1, window_bounds = array<i64: 1000, 16>}, {pipeline_mode = #tpu.pipeline_mode<synchronous>, transform_indices = @transform_2, window_bounds = array<i64: 1, 128>}, {pipeline_mode = #tpu.pipeline_mode<synchronous>, transform_indices = @transform_3, window_bounds = array<i64: 1, 128>}, {transform_indices = @transform_4, window_bounds = array<i64: 1000, 128>}]} {
    %get3A = arith.constant 0 : index
    %get3A_0 = arith.constant 0 : index
    %get3A_1 = vector.load %arg1[%get3A, %get3A_0] : memref<1000x128xf32, #tpu.memory_space<vmem>>, vector<1000x128xf32>
    %get3A_2 = arith.constant 0 : index
    %get3A_3 = arith.constant 0 : index
    %get3A_4 = vector.load %arg2[%get3A_2, %get3A_3] : memref<1000x16xf32, #tpu.memory_space<vmem>>, vector<1000x16xf32>
    %reduce_sum3A = arith.constant dense<0.000000e+00> : vector<1000xf32>
    %reduce_sum3A_5 = vector.multi_reduction <add>, %get3A_4, %reduce_sum3A [1] : vector<1000x16xf32> to vector<1000xf32>
    %broadcast_in_dim3A = vector.shape_cast %reduce_sum3A_5 : vector<1000xf32> to vector<1000x1xf32>
    %add3A = arith.constant 1.000000e+04 : f32
    %add3A_6 = vector.broadcast %add3A : f32 to vector<1000x1xf32>
    %add3A_7 = arith.addf %broadcast_in_dim3A, %add3A_6 : vector<1000x1xf32>
    %get3A_8 = arith.constant 0 : index
    %get3A_9 = arith.constant 0 : index
    %get3A_10 = vector.load %arg3[%get3A_8, %get3A_9] : memref<1x128xf32, #tpu.memory_space<vmem>>, vector<1x128xf32>
    %add3A_11 = vector.broadcast %get3A_10 : vector<1x128xf32> to vector<1000x128xf32>
    %add3A_12 = arith.addf %get3A_1, %add3A_11 : vector<1000x128xf32>
    %div3A = vector.broadcast %add3A_7 : vector<1000x1xf32> to vector<1000x128xf32>
    %div3A_13 = arith.divf %add3A_12, %div3A : vector<1000x128xf32>
    %mul3A = arith.constant 2.000000e-01 : f32
    %mul3A_14 = vector.broadcast %mul3A : f32 to vector<1000x128xf32>
    %mul3A_15 = arith.mulf %mul3A_14, %div3A_13 : vector<1000x128xf32>
    %max3A = arith.maximumf %div3A_13, %mul3A_15 : vector<1000x128xf32>
    %mul3A_16 = arith.mulf %max3A, %max3A : vector<1000x128xf32>
    %reduce_sum3A_17 = arith.constant dense<0.000000e+00> : vector<1000xf32>
    %reduce_sum3A_18 = vector.multi_reduction <add>, %mul3A_16, %reduce_sum3A_17 [1] : vector<1000x128xf32> to vector<1000xf32>
    %broadcast_in_dim3A_19 = vector.shape_cast %reduce_sum3A_18 : vector<1000xf32> to vector<1000x1xf32>
    %sqrt3A = math.sqrt %broadcast_in_dim3A_19 : vector<1000x1xf32>
    %max3A_20 = arith.constant 9.99999996E-13 : f32
    %max3A_21 = vector.broadcast %max3A_20 : f32 to vector<1000x1xf32>
    %max3A_22 = arith.maximumf %sqrt3A, %max3A_21 : vector<1000x1xf32>
    %div3A_23 = vector.broadcast %max3A_22 : vector<1000x1xf32> to vector<1000x128xf32>
    %div3A_24 = arith.divf %max3A, %div3A_23 : vector<1000x128xf32>
    %get3A_25 = arith.constant 0 : index
    %get3A_26 = arith.constant 0 : index
    %get3A_27 = vector.load %arg4[%get3A_25, %get3A_26] : memref<1x128xf32, #tpu.memory_space<vmem>>, vector<1x128xf32>
    %add3A_28 = vector.broadcast %get3A_27 : vector<1x128xf32> to vector<1000x128xf32>
    %add3A_29 = arith.addf %div3A_24, %add3A_28 : vector<1000x128xf32>
    %swap3A = arith.constant 0 : index
    %swap3A_30 = arith.constant 0 : index
    %swap3A_31 = vector.load %arg5[%swap3A, %swap3A_30] : memref<1000x128xf32, #tpu.memory_space<vmem>>, vector<1000x128xf32>
    tpu.vector_store %arg5[%swap3A, %swap3A_30], %add3A_29 {strides = array<i32>} : memref<1000x128xf32, #tpu.memory_space<vmem>>, vector<1000x128xf32>,
    return
  }
  func.func @transform_0(%arg0: i32) -> (i32, i32) {
    %c0_i32 = arith.constant 0 : i32
    %c0_i32_0 = arith.constant 0 : i32
    return %arg0, %c0_i32 : i32, i32
  }
  func.func @transform_1(%arg0: i32) -> (i32, i32) {
    %c0_i32 = arith.constant 0 : i32
    %c0_i32_0 = arith.constant 0 : i32
    return %arg0, %c0_i32 : i32, i32
  }
  func.func @transform_2(%arg0: i32) -> (i32, i32) {
    %c0_i32 = arith.constant 0 : i32
    %c0_i32_0 = arith.constant 0 : i32
    %c0_i32_1 = arith.constant 0 : i32
    return %c0_i32, %c0_i32_0 : i32, i32
  }
  func.func @transform_3(%arg0: i32) -> (i32, i32) {
    %c0_i32 = arith.constant 0 : i32
    %c0_i32_0 = arith.constant 0 : i32
    %c0_i32_1 = arith.constant 0 : i32
    return %c0_i32, %c0_i32_0 : i32, i32
  }
  func.func @transform_4(%arg0: i32) -> (i32, i32) {
    %c0_i32 = arith.constant 0 : i32
    %c0_i32_0 = arith.constant 0 : i32
    return %arg0, %c0_i32 : i32, i32
  }
}

</mosaic_0001>

<sc_bundles>
// kernel: kernel.6.cloned.1.call-start
scs
__scs_entry_jumppad:
0x0: {  	(pc) =	sbr.rel $0x88, $3  }
0x1: {  	(tag) =	ssettag $0x0;
	lr =	simm.s32 $0x1  }
0x2: {  	[smem:$0x3F9C] =	sst lr;
	_ =	strace $0xD0000000  }
0x3: {  	_ = 	snop  }
0x4: {  	_ = 	snop  }
0x5: {  	_ = 	snop  }
0x6: {  	_ = 	snop  }
0x7: {  	_ = 	snop  }
__scs_overlays_trampoline_lowered:
0x8: {  	[smem:$0x3FAB] =	sst s0  }
0x9: {  	[smem:$0x3FAC] =	sst s1  }
0xa: {  	[smem:$0x3FAD] =	sst s2  }
0xb: {  	[smem:$0x3FAE] =	sst s3  }
0xc: {  	[smem:$0x3FAF] =	sst s4  }
0xd: {  	[smem:$0x3FB0] =	sst s5  }
0xe: {  	[smem:$0x3FB1] =	sst s6  }
0xf: {  	[smem:$0x3FB2] =	sst s7  }
0x10: {  	[smem:$0x3FB3] =	sst s8  }
0x11: {  	[smem:$0x3FB4] =	sst s9;
	s0 =	simm.s32 @!p0 $0x0  }
0x12: {  	s1 =	sld [smem:$0x3F9A];
	s0 =	simm.s32 @p0 $0x1  }
0x13: {  	[smem:$0x3FB5] =	sst s0;
	s0 =	simm.s32 @!p1 $0x0  }
0x14: {  	s2 =	sld [smem:$0x3F99];
	s0 =	simm.s32 @p1 $0x1  }
0x15: {  	[smem:$0x3FB6] =	sst s0;
	s0 =	simm.s32 @!p2 $0x0  }
0x16: {  	s3 =	sld [smem:$0x3FDB];
	s0 =	simm.s32 @p2 $0x1  }
0x17: {  	s4 =	simm.s32 $0x1BF5;
	[smem:$0x3FB8] =	sst s0  }
0x18: {  	s0 =	sld [smem:$0x3F9B];
	_ =	swait.ge [sflag:s4], $0x0  }
0x19: {  	s7 =	sld [smem:$0x3F9C]  }
0x1a: {  	s8 =	sadd.s32 $0xFFFFE003, lr  }
0x1b: {  	s9 =	sadd.s32 $0xFFFFFEF7, lr;
	s5 =	simm.s32 $0xFFFFFFFF;
	p2 =	slt.u32 s8, $0xFFFFF086  }
0x1c: {  	p1 =	slt.u32 s9, $0xF7A;
	s5 =	simm.s32 @!p2 $0x0  }
0x1d: {  	s5 =	simm.s32 @p1 $0x1;
	p0 =	seq.s32 s7, s2  }
0x1e: {  	s7 =	smul.u32 @!p0 $0xF7A, s2;
	p2 =	seq.s32 @!p0 s5, $0x0  }
0x1f: {  	s9 =	smul.u32 $0xF7A, s1;
	s8 =	simm.s32 @!p0 $0x1BF5;
	p2 =	por !p2, p0  }
0x20: {  	[sflag:s8] =	ssyncset.s32 @!p0 $0xFFFFF086;
	s6 =	sadd.s32 @!p0 s3, s7;
	s7 =	simm.s32 @!p0 $0x108  }
0x21: {  	s3 =	sadd.s32 s3, s9;
	s6 =	sadd.s32 @!p0 $0x88, s6;
	s7 =	simm.s32 @p2 $0x1082  }
0x22: {  	[simem:s7], [sflag:s8] =	dma.local @!p0 [hbm:s6], $0xF7A  }
0x23: {  	s9 =	sor.u32 $0xD0000000, s2;
	s6 =	simm.s32 $0x108;
	_ =	swait.ge @!p0 [sflag:s8], $0x0  }
0x24: {  	s3 =	sadd.s32 $0x88, s3;
	s6 =	simm.s32 @!p1 $0x1082;
	[sflag:s4] =	ssyncset.s32 $0xFFFFF086  }
0x25: {  	[simem:s6], [sflag:s4] =	dma.local [hbm:s3], $0xF7A  }
0x26: {  	[smem:$0x3F9C] =	sst s1;
	(tag) =	ssettag s2;
	_ =	strace s9  }
0x27: {  	s1 =	sld [smem:$0x3FAC]  }
0x28: {  	s2 =	sld [smem:$0x3FAD]  }
0x29: {  	s4 =	sld [smem:$0x3FAF]  }
0x2a: {  	p0 =	seq.s32 s5, $0x0;
	s5 =	sld [smem:$0x3FB0]  }
0x2b: {  	s6 =	sld [smem:$0x3FB1]  }
0x2c: {  	s7 =	sld [smem:$0x3FB2]  }
0x2d: {  	s3 =	simm.s32 $0x108;
	s8 =	sld [smem:$0x3FB3]  }
0x2e: {  	s3 =	simm.s32 @!p0 $0x1082;
	s9 =	sld [smem:$0x3FB4]  }
0x2f: {  	lr =	sadd.s32 s0, s3;
	s0 =	sld [smem:$0x3FAB]  }
0x30: {  	s3 =	sld [smem:$0x3FAE]  }
0x31: {  	[smem:$0x3FB7] =	sst s10  }
0x32: {  	s10 =	sld [smem:$0x3FB5];
	_ =	sdelay $0x3  }
0x33: {  	p0 =	seq.s32 s10, $0x1;
	s10 =	sld [smem:$0x3FB7];
	_ =	sdelay $0x3  }
0x34: {  	[smem:$0x3FB7] =	sst s10  }
0x35: {  	s10 =	sld [smem:$0x3FB6];
	_ =	sdelay $0x3  }
0x36: {  	p1 =	seq.s32 s10, $0x1;
	s10 =	sld [smem:$0x3FB7];
	_ =	sdelay $0x3  }
0x37: {  	[smem:$0x3FB7] =	sst s10  }
0x38: {  	s10 =	sld [smem:$0x3FB8]  }
0x39: {  	_ = 	snop;
	(pc) =	sbr.ind lr, $3  }
0x3a: {  	_ = 	snop  }
0x3b: {  	_ = 	snop  }
0x3c: {  	p2 =	seq.s32 s10, $0x1;
	s10 =	sld [smem:$0x3FB7]  }
0x3d: {  	_ =	shalt  }
0x3e: {  	_ =	shalt  }
0x3f: {  	_ =	shalt  }
0x40: {  	_ =	shalt  }
0x41: {  	_ =	shalt  }
0x42: {  	_ =	shalt  }
0x43: {  	_ =	shalt  }
0x44: {  	_ =	shalt  }
0x45: {  	_ =	shalt  }
0x46: {  	_ =	shalt  }
0x47: {  	_ =	shalt  }
0x48: {  	_ =	shalt  }
0x49: {  	_ =	shalt  }
0x4a: {  	_ =	shalt  }
0x4b: {  	_ =	shalt  }
0x4c: {  	_ =	shalt  }
0x4d: {  	_ =	shalt  }
0x4e: {  	_ =	shalt  }
0x4f: {  	_ =	shalt  }
0x50: {  	_ =	shalt  }
0x51: {  	_ =	shalt  }
0x52: {  	_ =	shalt  }
0x53: {  	_ =	shalt  }
0x54: {  	_ =	shalt  }
0x55: {  	_ =	shalt  }
0x56: {  	_ =	shalt  }
0x57: {  	_ =	shalt  }
0x58: {  	_ =	shalt  }
0x59: {  	_ =	shalt  }
0x5a: {  	_ =	shalt  }
0x5b: {  	_ =	shalt  }
0x5c: {  	_ =	shalt  }
0x5d: {  	_ =	shalt  }
0x5e: {  	_ =	shalt  }
0x5f: {  	_ =	shalt  }
0x60: {  	_ =	shalt  }
0x61: {  	_ =	shalt  }
0x62: {  	_ =	shalt  }
0x63: {  	_ =	shalt  }
0x64: {  	_ =	shalt  }
0x65: {  	_ =	shalt  }
0x66: {  	_ =	shalt  }
0x67: {  	_ =	shalt  }
0x68: {  	_ =	shalt  }
0x69: {  	_ =	shalt  }
0x6a: {  	_ =	shalt  }
0x6b: {  	_ =	shalt  }
0x6c: {  	_ =	shalt  }
0x6d: {  	_ =	shalt  }
0x6e: {  	_ =	shalt  }
0x6f: {  	_ =	shalt  }
0x70: {  	_ =	shalt  }
0x71: {  	_ =	shalt  }
0x72: {  	_ =	shalt  }
0x73: {  	_ =	shalt  }
0x74: {  	_ =	shalt  }
0x75: {  	_ =	shalt  }
0x76: {  	_ =	shalt  }
0x77: {  	_ =	shalt  }
0x78: {  	_ =	shalt  }
0x79: {  	_ =	shalt  }
0x7a: {  	_ =	shalt  }
0x7b: {  	_ =	shalt  }
0x7c: {  	_ =	shalt  }
0x7d: {  	_ =	shalt  }
0x7e: {  	_ =	shalt  }
0x7f: {  	_ =	shalt  }
0x80: {  	_ =	shalt  }
0x81: {  	_ =	shalt  }
0x82: {  	_ =	shalt  }
0x83: {  	_ =	shalt  }
0x84: {  	_ =	shalt  }
0x85: {  	_ =	shalt  }
0x86: {  	_ =	shalt  }
0x87: {  	_ =	shalt  }
.Lfunc_end0:
.L_simem_size_0:
called_computation_lowered:
.L_overlay_start_0:
0x88: {  	s2 =	sld [smem:$0x3FD9]  }
0x89: {  	s3 =	sld [smem:$0x3FFE];
	_ =	sdelay $0x1  }
0x8a: {  	s1 =	srdreg.scid  }
0x8b: {  	s0 =	sand.u32 $0x1, s1  }
0x8c: {  	s17 =	sshll.u32 s0, $0xA;
	s2 =	sadd.s32 s3, s2  }
0x8d: {  	s2 =	sadd.s32 s2, s17  }
0x8e: {  	[smem:$0x3FC3] =	sst s2  }
0x8f: {  	_ = 	snop  }
0x90: {  	s2 =	sld [smem:$0x3FD0];
	(tm) =	ssettm $0x1  }
0x91: {  	s18 =	sld [smem:$0x3FFB];
	_ =	sdelay $0x3  }
0x92: {  	_ =	strace s18  }
0x93: {  	s3 =	sld [smem:$0x3FFC];
	_ =	sdelay $0x3  }
0x94: {  	_ =	strace s3  }
0x95: {  	s3 =	sld [smem:$0x3FFD];
	_ =	sdelay $0x3  }
0x96: {  	_ =	strace s3  }
0x97: {  	_ =	strace $0x8FFFFFFF  }
0x98: {  	s19 =	sld [smem:$0x3FDB];
	_ =	sdelay $0x1  }
0x99: {  	s4 =	simm.s32 $_scs_section_size  }
0x9a: {  	s5 =	simm.s32 $_size__tile_overlayer_lowered;
	s6 =	simm.s32 $_tile_overlayer_lowered  }
0x9b: {  	s22 =	simm.s32 $0x1BFF;
	s21 =	sshll.u32 s6, $0x1;
	s3 =	sadd.s32 s4, s19  }
0x9c: {  	s7 =	simm.s32 $0x0;
	s20 =	sshll.u32 s5, $0x1;
	s5 =	sadd.s32 s21, s3  }
0x9d: {  	[timem:s7], [sflag:s22] =	dma.local [hbm:s5], s20  }
0x9e: {  	_ =	swait.ge [sflag:s22], s20  }
0x9f: {  	s4 =	ssub.s32 $0x0, s20;
	[sflag:s22] =	ssyncset.done $0x0  }
0xa0: {  	[sflag:s22] =	ssyncadd.s32 s4;
	_ =	sdelay $0x1  }
0xa1: {  	s23 =	simm.s32 $0x1B8B  }
0xa2: {  	_ =	swait.ge [sflag:s23], $0x1  }
0xa3: {  	[sflag:s23] =	ssyncset.done $0x0  }
0xa4: {  	s25 =	simm.s32 $0x1B8E;
	s24 =	sld [smem:$0x3FFE];
	[sflag:s23] =	ssyncadd.s32 $0xFFFFFFFF  }
0xa5: {  	s26 =	simm.s32 $execute0_lowered;
	[smem:$0x3FD2] =	sst s25  }
0xa6: {  	s5 =	sshll.u32 s26, $0x1;
	_ =	strace $0x80000046;
	[dreg:$0x1] =	wrdreg $0xFFFFFFFF  }
0xa7: {  	s28 =	simm.s32 $_size_execute0_lowered;
	s3 =	sadd.s32 s3, s5;
	[dreg:$0x0] =	wrdreg $0x0  }
0xa8: {  	s5 =	sshll.u32 s28, $0x1;
	[dreg:$0x2] =	wrdreg s3  }
0xa9: {  	[dreg:$0x3] =	wrdreg s5  }
0xaa: {  	[dreg:$0x4] =	wrdreg $0xC0  }
0xab: {  	_ =	task [dreg:s7], $0x5FFFF  }
0xac: {  	[dreg:$0x1] =	wrdreg $0xFFFFFFFF  }
0xad: {  	[dreg:$0x0] =	wrdreg $0x60  }
0xae: {  	[dreg:$0x2] =	wrdreg s24  }
0xaf: {  	[dreg:$0x3] =	wrdreg s2  }
0xb0: {  	[dreg:$0x4] =	wrdreg $0x9  }
0xb1: {  	_ =	task.clear_ibuf [dreg:s7], $0x5FFFF;
	_ =	strace $0x90000046  }
0xb2: {  	s29 =	simm.s32 $0x9;
	_ =	strace $0x80000048  }
0xb3: {  	_ =	swait.ge [sflag:s29], $0x1  }
0xb4: {  	[sflag:s29] =	ssyncadd.s32 $0xFFFFFFFF  }
0xb5: {  	_ =	strace $0x90000048  }
0xb6: {  	_ =	sfence  }
0xb7: {  	s30 =	sld [smem:$0x0];
	_ =	sdelay $0x2  }
0xb8: {  	s31 =	sshll.u32 s1, $0xD;
	s1 =	sshrl.u32 s1, $0x2  }
0xb9: {  	s3 =	sand.u32 $0x4000, s31;
	s1 =	sadd.s32 s1, s30  }
0xba: {  	s0 =	sor.u32 s3, s0;
	s1 =	sshll.u32 s1, $0x11  }
0xbb: {  	s0 =	sor.u32 s1, s0  }
0xbc: {  	s0 =	sadd.s32 $0x8F2B, s0  }
0xbd: {  	[sflag:s0] =	ssyncadd.remote.s32 $0x1  }
0xbe: {  	_ =	sfence.sel $0xFFFF  }
0xbf: {  	[dreg:$0x0] =	wrdreg $0xFFFFFFFF;
	(pc) =	sbr.abs _section_cstart, $3  }
0xc0: {  	[dreg:$0x1] =	wrdreg $0xFFFFFFFF  }
0xc1: {  	_ =	task.clear_ibuf [dreg:s7], $0x2FFFF;
	_ =	strace $0x9FFFFFFF  }
0xc2: {  	(tm) =	ssettm $0x7FFFFFFF  }
0xc3: {  	_ =	shalt  }
tec
execute0_lowered:
.L_overlay_start_1:
0x0: {  	(tag) =	ssettag $0x1  }
0x1: {  	s5 =	rddreg [dreg:$0x0]  }
0x2: {  	s8 =	rddreg [dreg:$0x1]  }
0x3: {  	s0 =	rddreg [dreg:$0x2];
	s2 =	simm.s32 $0x0  }
0x4: {  	s1 =	stileid.u32;
	s4 =	srdreg.scid;
	s14 =	simm.s32 $0x9E00  }
0x5: {  	s15 =	simm.s32 $0x80;
	s16 =	simm.s32 $0x400;
	s17 =	simm.s32 $0x0  }
0x6: {  	[smem:$0x7FF] =	sst s2;
	s3 =	sadd.s32 $0x800, s5;
	s6 =	smul.u32 $0x4E2, s1  }
0x7: {  	s10 =	sand.u32 $0x1, s4;
	s30 =	sshrl.u32 s1, $0x3;
	s11 =	sshll.u32 s1, $0x7  }
0x8: {  	s4 =	sadd.s32 $0xE00, s5;
	_ =	strace $0x80000047;
	s7 =	ssub.s32 $0x2, s10  }
0x9: {  	s9 =	smul.u32 $0x13C00, s30;
	s11 =	sand.u32 $0x380, s11;
	p0 =	seq.s32 s10, $0x0  }
.Ltmp0:
0xa: {  	s10 =	simm.s32 $0x4F00;
	s12 =	sshrl.u32 s7, $0x1;
	(pc) =	sbr.rel .LBB2_1-.Ltmp0, $4  }
0xb: {  	s13 =	sadd.s32 s6, s5;
	s12 =	ssub.s32 s7, s12;
	s31 =	sor.u32 s11, s9  }
0xc: {  	s5 =	sadd.s32 $0x6400, s13;
	s6 =	sadd.s32 $0x1400, s13;
	s7 =	sadd.s32 $0xB400, s13  }
0xd: {  	s11 =	simm.s32 $0x1;
	s13 =	simm.s32 $0x2780;
	s9 =	sshrl.u32 s31, $0x3  }
0xe: {  	v0 =	vimm.f32 $0.0e+00;
	s8 =	sadd.s32 s8, s9;
	s9 =	smax.u32 s12, $0x1;
	s12 =	simm.s32 $0x7680  }
.LBB2_8:
0xf: {  	v2 =	vld [tilespmem:s19+$0x2780];
	_ =	sdelay $0x6  }
0x10: {  	v3 =	vld.idx.msk [tilespmem:v1+s10+$0x0], $0xffff  }
0x11: {  	v2 =	vld.idx.msk [tilespmem:v2+s12+$0x0], $0xffff;
	_ =	sdelay $0x4  }
0x12: {  	v2 =	vadd.f32 v2, v3;
	_ =	sdelay $0x1  }
0x13: {  	v3 =	vmul.f32 $2.000000030e-01, v2;
	_ =	sdelay $0x1  }
0x14: {  	v2 =	vmax.f32 v2, v3  }
0x15: {  	v2 =	vmul.f32 $1.442695020e+00, v2;
	_ =	sdelay $0x1  }
0x16: {  	(erf) = vpow2.f32 v2;
	_ =	sdelay $0x8  }
0x17: {  	v2 =	vpop (erf)  }
0x18: {  	v2 =	vadd.f32 $-1.000000000e+00, v2;
	_ =	sdelay $0x1  }
0x19: {  	[tilespmem:v1+s14+$0x0] =	vst.idx.add.f32.msk $0xffff, v2  }
0x1a: {  	[hbm4b:s8+s15] =	stream.strided.scatter [tilespmem:s14], [sflag:$0x1], $0x2780, s16, s15, $0x38;
	[tilespmem:$0xC580] =	vst v63  }
0x1b: {  	_ =	swait.ge [sflag:s11], $0x2780  }
0x1c: {  	[sflag:s11] =	ssyncset.done $0x0  }
0x1d: {  	[sflag:s11] =	ssyncadd.s32 $0xFFFFD880  }
.LBB2_9:
0x1e: {  	s17 =	sadd.s32 $0x1, s17  }
0x1f: {  	p1 =	sne.s32 s17, s9  }
.Ltmp1:
0x20: {  	_ = 	snop;
	(pc) =	sbr.rel @!p1 .LBB2_10-.Ltmp1, $1  }
0x21: {  	_ =	sdelay $0x3  }
.LBB2_1:
0x22: {  	[tilespmem:s10], [sflag:$0x1] =	stream.linear.gather [hbm4b:s3+s2], $0x2780, $0x38;
	[tilespmem:$0xC580] =	vst v63  }
0x23: {  	_ =	swait.ge [sflag:s11], $0x2780  }
0x24: {  	[sflag:s11] =	ssyncset.done $0x0  }
0x25: {  	[sflag:s11] =	ssyncadd.s32 $0xFFFFD880  }
0x26: {  	[tilespmem:s12], [sflag:$0x1] =	stream.linear.gather [hbm4b:s4+s2], $0x2780, $0x38;
	[tilespmem:$0xC580] =	vst v63  }
0x27: {  	_ =	swait.ge [sflag:s11], $0x2780  }
0x28: {  	[sflag:s11] =	ssyncset.done $0x0  }
0x29: {  	[sflag:s11] =	ssyncadd.s32 $0xFFFFD880  }
0x2a: {  	[tilespmem:s2], [sflag:$0x1] =	stream.linear.gather [hbm4b:s5+s2], $0x2710, $0x38;
	[tilespmem:$0xC580] =	vst v63  }
0x2b: {  	_ =	swait.ge [sflag:s11], $0x2710  }
0x2c: {  	[sflag:s11] =	ssyncset.done $0x0  }
.Ltmp2:
0x2d: {  	[sflag:s11] =	ssyncadd.s32 $0xFFFFD8F0;
	(pc) =	sbr.rel @!p0 .LBB2_2-.Ltmp2, $4  }
0x2e: {  	[tilespmem:s13], [sflag:$0x1] =	stream.linear.gather [hbm4b:s6+s2], $0x2710, $0x38;
	[tilespmem:$0xC580] =	vst v63  }
0x2f: {  	_ =	swait.ge [sflag:s11], $0x2710  }
0x30: {  	[sflag:s11] =	ssyncset.done $0x0  }
0x31: {  	s18 =	simm.s32 $0x0;
	[sflag:s11] =	ssyncadd.s32 $0xFFFFD8F0  }
.LBB2_5:
0x32: {  	p1 =	sne.s32 s18, $0x9C00  }
.Ltmp3:
0x33: {  	_ = 	snop;
	(pc) =	sbr.rel @p1 .LBB2_5-.Ltmp3, $3  }
0x34: {  	_ =	sdelay $0x1  }
0x35: {  	s19 =	sshra.s32 s18, $0x2  }
0x36: {  	s18 =	sadd.s32 $0x40, s18;
	[tilespmem:s19+$0x9E00] =	vst v0  }
0x37: {  	s19 =	simm.s32 $0x0  }
0x38: {  	s18 =	simm.s32 $0x40;
	v1 =	vld [tilespmem:s19+$0x0]  }
.LBB2_7:
0x39: {  	p1 =	sne.s32 s18, $0x9C00;
	v2 =	vld [tilespmem:s19+$0x2780];
	_ =	sdelay $0x6  }
0x3a: {  	v3 =	vld.idx.msk [tilespmem:v1+s10+$0x0], $0xffff  }
0x3b: {  	v2 =	vld.idx.msk [tilespmem:v2+s12+$0x0], $0xffff;
	_ =	sdelay $0x5  }
0x3c: {  	v2 =	vadd.f32 v2, v3;
	_ =	sdelay $0x1  }
0x3d: {  	v3 =	vmul.f32 $2.000000030e-01, v2;
	_ =	sdelay $0x1  }
0x3e: {  	v2 =	vmax.f32 v2, v3  }
0x3f: {  	v2 =	vmul.f32 $1.442695020e+00, v2;
	_ =	sdelay $0x1  }
0x40: {  	(erf) = vpow2.f32 v2;
	_ =	sdelay $0x8  }
.Ltmp4:
0x41: {  	v2 =	vpop (erf);
	(pc) =	sbr.rel @p1 .LBB2_7-.Ltmp4, $3  }
0x42: {  	v2 =	vadd.f32 $-1.000000000e+00, v2;
	_ =	sdelay $0x1  }
0x43: {  	s19 =	sshra.s32 s18, $0x2;
	[tilespmem:v1+s14+$0x0] =	vst.idx.add.f32.msk $0xffff, v2  }
0x44: {  	s18 =	sadd.s32 $0x40, s18;
	v1 =	vld [tilespmem:s19+$0x0]  }
.Ltmp5:
0x45: {  	_ = 	snop;
	(pc) =	sbr.rel .LBB2_8-.Ltmp5, $1  }
0x46: {  	_ =	sdelay $0x3  }
.LBB2_2:
0x47: {  	s18 =	simm.s32 $0x0  }
0x48: {  	v1 =	vld [tilespmem:s18+$0x2780]  }
0x49: {  	v2 =	vld [tilespmem:s18+$0x0];
	_ =	sdelay $0x6  }
0x4a: {  	v1 =	vld.idx.msk [tilespmem:v1+s12+$0x0], $0xffff  }
0x4b: {  	v2 =	vld.idx.msk [tilespmem:v2+s10+$0x0], $0xffff;
	_ =	sdelay $0x4  }
0x4c: {  	v1 =	vadd.f32 v1, v2;
	_ =	sdelay $0x1  }
0x4d: {  	v2 =	vmul.f32 $2.000000030e-01, v1;
	_ =	sdelay $0x1  }
0x4e: {  	v1 =	vmax.f32 v1, v2  }
0x4f: {  	v1 =	vmul.f32 $1.442695020e+00, v1;
	_ =	sdelay $0x1  }
0x50: {  	(erf) = vpow2.f32 v1;
	_ =	sdelay $0x3  }
0x51: {  	s20 =	simm.s32 $0x10  }
0x52: {  	s19 =	simm.s32 $0x80;
	v1 =	vld [tilespmem:s20+$0x2780]  }
.LBB2_3:
0x53: {  	p1 =	sne.s32 s19, $0x9C00;
	v2 =	vld [tilespmem:s20+$0x0];
	_ =	sdelay $0x2  }
0x54: {  	v3 =	vpop (erf)  }
0x55: {  	v3 =	vadd.f32 $-1.000000000e+00, v3;
	_ =	sdelay $0x1  }
0x56: {  	[tilespmem:s18+$0x9E00] =	vst v3;
	s18 =	smov.u32 s20  }
0x57: {  	v1 =	vld.idx.msk [tilespmem:v1+s12+$0x0], $0xffff  }
0x58: {  	v2 =	vld.idx.msk [tilespmem:v2+s10+$0x0], $0xffff;
	_ =	sdelay $0x5  }
0x59: {  	v1 =	vadd.f32 v1, v2;
	_ =	sdelay $0x1  }
0x5a: {  	v2 =	vmul.f32 $2.000000030e-01, v1;
	_ =	sdelay $0x1  }
0x5b: {  	v1 =	vmax.f32 v1, v2  }
0x5c: {  	v1 =	vmul.f32 $1.442695020e+00, v1;
	_ =	sdelay $0x1  }
0x5d: {  	(erf) = vpow2.f32 v1  }
.Ltmp6:
0x5e: {  	(pc) =	sbr.rel @p1 .LBB2_3-.Ltmp6, $3  }
0x5f: {  	_ =	sdelay $0x1  }
0x60: {  	s20 =	sshra.s32 s19, $0x2  }
0x61: {  	s19 =	sadd.s32 $0x40, s19;
	v1 =	vld [tilespmem:s20+$0x2780]  }
0x62: {  	_ = 	snop  }
0x63: {  	v2 =	vld [tilespmem:s20+$0x0];
	_ =	sdelay $0x2  }
0x64: {  	v3 =	vpop (erf)  }
0x65: {  	v3 =	vadd.f32 $-1.000000000e+00, v3;
	_ =	sdelay $0x1  }
0x66: {  	[tilespmem:s18+$0x9E00] =	vst v3  }
0x67: {  	v1 =	vld.idx.msk [tilespmem:v1+s12+$0x0], $0xffff  }
0x68: {  	v2 =	vld.idx.msk [tilespmem:v2+s10+$0x0], $0xffff;
	_ =	sdelay $0x4  }
0x69: {  	v1 =	vadd.f32 v1, v2;
	_ =	sdelay $0x1  }
0x6a: {  	v2 =	vmul.f32 $2.000000030e-01, v1;
	_ =	sdelay $0x1  }
0x6b: {  	v1 =	vmax.f32 v1, v2  }
0x6c: {  	v1 =	vmul.f32 $1.442695020e+00, v1;
	_ =	sdelay $0x1  }
0x6d: {  	(erf) = vpow2.f32 v1;
	_ =	sdelay $0x8  }
0x6e: {  	v1 =	vpop (erf)  }
0x6f: {  	v1 =	vadd.f32 $-1.000000000e+00, v1;
	_ =	sdelay $0x1  }
.Ltmp7:
0x70: {  	[tilespmem:s20+$0x9E00] =	vst v1;
	(pc) =	sbr.rel .LBB2_9-.Ltmp7, $4  }
0x71: {  	[hbm4b:s7+s2] =	stream.linear.scatter [tilespmem:s14], [sflag:$0x1], $0x2710, $0x38;
	[tilespmem:$0xC580] =	vst v63  }
0x72: {  	_ =	swait.ge [sflag:s11], $0x2710  }
0x73: {  	[sflag:s11] =	ssyncset.done $0x0  }
0x74: {  	[sflag:s11] =	ssyncadd.s32 $0xFFFFD8F0  }
.LBB2_10:
0x75: {  	_ =	sfence.sel $0x180000  }
0x76: {  	[bflag:$0x0] =	sbarrier.arrive $0xFFFF  }
0x77: {  	p0 =	sne.s32 s1, $0x0;
	_ =	strace $0x90000047  }
0x78: {  	s0 =	sadd.s32 @!p0 $0x100000, s0;
	[bflag:$0x2] =	sbarrier.arrive $0xFFFF  }
0x79: {  	[sflag:s0] =	ssyncadd.tile.s32 @!p0 $0x1;
	_ =	shalt  }
.Lfunc_end2:
_tile_overlayer_lowered:
.L_overlay_start_2:
0x7a: {  	(tag) =	ssettag $0x2  }
0x7b: {  	s0 =	rddreg [dreg:$0x0];
	s2 =	stileid.u32  }
0x7c: {  	s1 =	rddreg [dreg:$0x1];
	p0 =	sne.s32 s2, $0x0  }
0x7d: {  	s3 =	rddreg [dreg:$0x2];
	[bflag:$0x3] =	sbarrier.arrive $0xFFFF;
	s2 =	simm.s32 @!p0 $0x1C01  }
0x7e: {  	[timem:s3], [sflag:s2] =	dma.local @!p0 [hbm:s0], s1  }
0x7f: {  	s0 =	simm.s32 @!p0 $0x1  }
0x80: {  	_ =	swait.ge @!p0 [sflag:s0], s1  }
0x81: {  	s1 =	ssub.s32 @!p0 $0x0, s1;
	[sflag:s0] =	ssyncset.done @!p0 $0x0  }
0x82: {  	[sflag:s0] =	ssyncadd.s32 @!p0 s1  }
0x83: {  	[bflag:$0x3] =	sbarrier.arrive $0xFFFF  }
0x84: {  	_ =	shalt  }

// kernel: kernel.9.cloned.1.call-start
scs
__scs_entry_jumppad:
0x0: {  	(pc) =	sbr.rel $0x88, $3  }
0x1: {  	(tag) =	ssettag $0x0;
	lr =	simm.s32 $0x1  }
0x2: {  	[smem:$0x3F9C] =	sst lr;
	_ =	strace $0xD0000000  }
0x3: {  	_ = 	snop  }
0x4: {  	_ = 	snop  }
0x5: {  	_ = 	snop  }
0x6: {  	_ = 	snop  }
0x7: {  	_ = 	snop  }
__scs_overlays_trampoline_lowered:
0x8: {  	[smem:$0x3FAB] =	sst s0  }
0x9: {  	[smem:$0x3FAC] =	sst s1  }
0xa: {  	[smem:$0x3FAD] =	sst s2  }
0xb: {  	[smem:$0x3FAE] =	sst s3  }
0xc: {  	[smem:$0x3FAF] =	sst s4  }
0xd: {  	[smem:$0x3FB0] =	sst s5  }
0xe: {  	[smem:$0x3FB1] =	sst s6  }
0xf: {  	[smem:$0x3FB2] =	sst s7  }
0x10: {  	[smem:$0x3FB3] =	sst s8  }
0x11: {  	[smem:$0x3FB4] =	sst s9;
	s0 =	simm.s32 @!p0 $0x0  }
0x12: {  	s1 =	sld [smem:$0x3F9A];
	s0 =	simm.s32 @p0 $0x1  }
0x13: {  	[smem:$0x3FB5] =	sst s0;
	s0 =	simm.s32 @!p1 $0x0  }
0x14: {  	s2 =	sld [smem:$0x3F99];
	s0 =	simm.s32 @p1 $0x1  }
0x15: {  	[smem:$0x3FB6] =	sst s0;
	s0 =	simm.s32 @!p2 $0x0  }
0x16: {  	s3 =	sld [smem:$0x3FDB];
	s0 =	simm.s32 @p2 $0x1  }
0x17: {  	s4 =	simm.s32 $0x1BF5;
	[smem:$0x3FB8] =	sst s0  }
0x18: {  	s0 =	sld [smem:$0x3F9B];
	_ =	swait.ge [sflag:s4], $0x0  }
0x19: {  	s7 =	sld [smem:$0x3F9C]  }
0x1a: {  	s8 =	sadd.s32 $0xFFFFE003, lr  }
0x1b: {  	s9 =	sadd.s32 $0xFFFFFEF7, lr;
	s5 =	simm.s32 $0xFFFFFFFF;
	p2 =	slt.u32 s8, $0xFFFFF086  }
0x1c: {  	p1 =	slt.u32 s9, $0xF7A;
	s5 =	simm.s32 @!p2 $0x0  }
0x1d: {  	s5 =	simm.s32 @p1 $0x1;
	p0 =	seq.s32 s7, s2  }
0x1e: {  	s7 =	smul.u32 @!p0 $0xF7A, s2;
	p2 =	seq.s32 @!p0 s5, $0x0  }
0x1f: {  	s9 =	smul.u32 $0xF7A, s1;
	s8 =	simm.s32 @!p0 $0x1BF5;
	p2 =	por !p2, p0  }
0x20: {  	[sflag:s8] =	ssyncset.s32 @!p0 $0xFFFFF086;
	s6 =	sadd.s32 @!p0 s3, s7;
	s7 =	simm.s32 @!p0 $0x108  }
0x21: {  	s3 =	sadd.s32 s3, s9;
	s6 =	sadd.s32 @!p0 $0x88, s6;
	s7 =	simm.s32 @p2 $0x1082  }
0x22: {  	[simem:s7], [sflag:s8] =	dma.local @!p0 [hbm:s6], $0xF7A  }
0x23: {  	s9 =	sor.u32 $0xD0000000, s2;
	s6 =	simm.s32 $0x108;
	_ =	swait.ge @!p0 [sflag:s8], $0x0  }
0x24: {  	s3 =	sadd.s32 $0x88, s3;
	s6 =	simm.s32 @!p1 $0x1082;
	[sflag:s4] =	ssyncset.s32 $0xFFFFF086  }
0x25: {  	[simem:s6], [sflag:s4] =	dma.local [hbm:s3], $0xF7A  }
0x26: {  	[smem:$0x3F9C] =	sst s1;
	(tag) =	ssettag s2;
	_ =	strace s9  }
0x27: {  	s1 =	sld [smem:$0x3FAC]  }
0x28: {  	s2 =	sld [smem:$0x3FAD]  }
0x29: {  	s4 =	sld [smem:$0x3FAF]  }
0x2a: {  	p0 =	seq.s32 s5, $0x0;
	s5 =	sld [smem:$0x3FB0]  }
0x2b: {  	s6 =	sld [smem:$0x3FB1]  }
0x2c: {  	s7 =	sld [smem:$0x3FB2]  }
0x2d: {  	s3 =	simm.s32 $0x108;
	s8 =	sld [smem:$0x3FB3]  }
0x2e: {  	s3 =	simm.s32 @!p0 $0x1082;
	s9 =	sld [smem:$0x3FB4]  }
0x2f: {  	lr =	sadd.s32 s0, s3;
	s0 =	sld [smem:$0x3FAB]  }
0x30: {  	s3 =	sld [smem:$0x3FAE]  }
0x31: {  	[smem:$0x3FB7] =	sst s10  }
0x32: {  	s10 =	sld [smem:$0x3FB5];
	_ =	sdelay $0x3  }
0x33: {  	p0 =	seq.s32 s10, $0x1;
	s10 =	sld [smem:$0x3FB7];
	_ =	sdelay $0x3  }
0x34: {  	[smem:$0x3FB7] =	sst s10  }
0x35: {  	s10 =	sld [smem:$0x3FB6];
	_ =	sdelay $0x3  }
0x36: {  	p1 =	seq.s32 s10, $0x1;
	s10 =	sld [smem:$0x3FB7];
	_ =	sdelay $0x3  }
0x37: {  	[smem:$0x3FB7] =	sst s10  }
0x38: {  	s10 =	sld [smem:$0x3FB8]  }
0x39: {  	_ = 	snop;
	(pc) =	sbr.ind lr, $3  }
0x3a: {  	_ = 	snop  }
0x3b: {  	_ = 	snop  }
0x3c: {  	p2 =	seq.s32 s10, $0x1;
	s10 =	sld [smem:$0x3FB7]  }
0x3d: {  	_ =	shalt  }
0x3e: {  	_ =	shalt  }
0x3f: {  	_ =	shalt  }
0x40: {  	_ =	shalt  }
0x41: {  	_ =	shalt  }
0x42: {  	_ =	shalt  }
0x43: {  	_ =	shalt  }
0x44: {  	_ =	shalt  }
0x45: {  	_ =	shalt  }
0x46: {  	_ =	shalt  }
0x47: {  	_ =	shalt  }
0x48: {  	_ =	shalt  }
0x49: {  	_ =	shalt  }
0x4a: {  	_ =	shalt  }
0x4b: {  	_ =	shalt  }
0x4c: {  	_ =	shalt  }
0x4d: {  	_ =	shalt  }
0x4e: {  	_ =	shalt  }
0x4f: {  	_ =	shalt  }
0x50: {  	_ =	shalt  }
0x51: {  	_ =	shalt  }
0x52: {  	_ =	shalt  }
0x53: {  	_ =	shalt  }
0x54: {  	_ =	shalt  }
0x55: {  	_ =	shalt  }
0x56: {  	_ =	shalt  }
0x57: {  	_ =	shalt  }
0x58: {  	_ =	shalt  }
0x59: {  	_ =	shalt  }
0x5a: {  	_ =	shalt  }
0x5b: {  	_ =	shalt  }
0x5c: {  	_ =	shalt  }
0x5d: {  	_ =	shalt  }
0x5e: {  	_ =	shalt  }
0x5f: {  	_ =	shalt  }
0x60: {  	_ =	shalt  }
0x61: {  	_ =	shalt  }
0x62: {  	_ =	shalt  }
0x63: {  	_ =	shalt  }
0x64: {  	_ =	shalt  }
0x65: {  	_ =	shalt  }
0x66: {  	_ =	shalt  }
0x67: {  	_ =	shalt  }
0x68: {  	_ =	shalt  }
0x69: {  	_ =	shalt  }
0x6a: {  	_ =	shalt  }
0x6b: {  	_ =	shalt  }
0x6c: {  	_ =	shalt  }
0x6d: {  	_ =	shalt  }
0x6e: {  	_ =	shalt  }
0x6f: {  	_ =	shalt  }
0x70: {  	_ =	shalt  }
0x71: {  	_ =	shalt  }
0x72: {  	_ =	shalt  }
0x73: {  	_ =	shalt  }
0x74: {  	_ =	shalt  }
0x75: {  	_ =	shalt  }
0x76: {  	_ =	shalt  }
0x77: {  	_ =	shalt  }
0x78: {  	_ =	shalt  }
0x79: {  	_ =	shalt  }
0x7a: {  	_ =	shalt  }
0x7b: {  	_ =	shalt  }
0x7c: {  	_ =	shalt  }
0x7d: {  	_ =	shalt  }
0x7e: {  	_ =	shalt  }
0x7f: {  	_ =	shalt  }
0x80: {  	_ =	shalt  }
0x81: {  	_ =	shalt  }
0x82: {  	_ =	shalt  }
0x83: {  	_ =	shalt  }
0x84: {  	_ =	shalt  }
0x85: {  	_ =	shalt  }
0x86: {  	_ =	shalt  }
0x87: {  	_ =	shalt  }
.Lfunc_end0:
.L_simem_size_0:
called_computation.1_lowered:
.L_overlay_start_0:
0x88: {  	s2 =	sld [smem:$0x3FD9]  }
0x89: {  	s3 =	sld [smem:$0x3FFE];
	_ =	sdelay $0x1  }
0x8a: {  	s1 =	srdreg.scid  }
0x8b: {  	s0 =	sand.u32 $0x1, s1  }
0x8c: {  	s16 =	sshll.u32 s0, $0xA;
	s2 =	sadd.s32 s3, s2  }
0x8d: {  	s2 =	sadd.s32 s2, s16  }
0x8e: {  	[smem:$0x3FC3] =	sst s2  }
0x8f: {  	_ = 	snop  }
0x90: {  	(tm) =	ssettm $0x1  }
0x91: {  	s17 =	sld [smem:$0x3FFB];
	_ =	sdelay $0x3  }
0x92: {  	_ =	strace s17  }
0x93: {  	s2 =	sld [smem:$0x3FFC];
	_ =	sdelay $0x3  }
0x94: {  	_ =	strace s2  }
0x95: {  	s2 =	sld [smem:$0x3FFD];
	_ =	sdelay $0x3  }
0x96: {  	_ =	strace s2  }
0x97: {  	_ =	strace $0x8FFFFFFF  }
0x98: {  	s18 =	sld [smem:$0x3FDB];
	_ =	sdelay $0x1  }
0x99: {  	s19 =	simm.s32 $_scs_section_size  }
0x9a: {  	s4 =	simm.s32 $_size__tile_overlayer_lowered;
	s5 =	simm.s32 $_tile_overlayer_lowered  }
0x9b: {  	s22 =	simm.s32 $0x1BFF;
	s21 =	sshll.u32 s5, $0x1;
	s2 =	sadd.s32 s19, s18  }
0x9c: {  	s6 =	simm.s32 $0x0;
	s20 =	sshll.u32 s4, $0x1;
	s4 =	sadd.s32 s21, s2  }
0x9d: {  	[timem:s6], [sflag:s22] =	dma.local [hbm:s4], s20  }
0x9e: {  	_ =	swait.ge [sflag:s22], s20  }
0x9f: {  	s3 =	ssub.s32 $0x0, s20;
	[sflag:s22] =	ssyncset.done $0x0  }
0xa0: {  	[sflag:s22] =	ssyncadd.s32 s3;
	_ =	sdelay $0x1  }
0xa1: {  	s23 =	simm.s32 $0x1B8B  }
0xa2: {  	_ =	swait.ge [sflag:s23], $0x1  }
0xa3: {  	[sflag:s23] =	ssyncset.done $0x0  }
0xa4: {  	s25 =	simm.s32 $0x1B8E;
	s24 =	sld [smem:$0x3FFE];
	[sflag:s23] =	ssyncadd.s32 $0xFFFFFFFF  }
0xa5: {  	s26 =	simm.s32 $execute0_lowered;
	[smem:$0x3FD2] =	sst s25  }
0xa6: {  	s4 =	sshll.u32 s26, $0x1;
	_ =	strace $0x80000049;
	[dreg:$0x1] =	wrdreg $0xFFFFFFFF  }
0xa7: {  	s28 =	simm.s32 $_size_execute0_lowered;
	s2 =	sadd.s32 s2, s4;
	[dreg:$0x0] =	wrdreg $0x0  }
0xa8: {  	s4 =	sshll.u32 s28, $0x1;
	[dreg:$0x2] =	wrdreg s2  }
0xa9: {  	[dreg:$0x3] =	wrdreg s4  }
0xaa: {  	[dreg:$0x4] =	wrdreg $0xC0  }
0xab: {  	_ =	task [dreg:s6], $0x5FFFF  }
0xac: {  	[dreg:$0x1] =	wrdreg $0xFFFFFFFF  }
0xad: {  	[dreg:$0x0] =	wrdreg $0x60  }
0xae: {  	[dreg:$0x2] =	wrdreg s24  }
0xaf: {  	[dreg:$0x3] =	wrdreg $0x9  }
0xb0: {  	_ =	task.clear_ibuf [dreg:s6], $0x4FFFF;
	_ =	strace $0x90000049  }
0xb1: {  	s29 =	simm.s32 $0x9;
	_ =	strace $0x8000004B  }
0xb2: {  	_ =	swait.ge [sflag:s29], $0x1  }
0xb3: {  	[sflag:s29] =	ssyncadd.s32 $0xFFFFFFFF  }
0xb4: {  	_ =	strace $0x9000004B  }
0xb5: {  	_ =	sfence  }
0xb6: {  	s30 =	sld [smem:$0x0];
	_ =	sdelay $0x2  }
0xb7: {  	s31 =	sshll.u32 s1, $0xD;
	s1 =	sshrl.u32 s1, $0x2  }
0xb8: {  	s3 =	sand.u32 $0x4000, s31;
	s1 =	sadd.s32 s1, s30  }
0xb9: {  	s0 =	sor.u32 s3, s0;
	s1 =	sshll.u32 s1, $0x11  }
0xba: {  	s0 =	sor.u32 s1, s0  }
0xbb: {  	s0 =	sadd.s32 $0x8F2B, s0  }
0xbc: {  	[sflag:s0] =	ssyncadd.remote.s32 $0x1  }
0xbd: {  	_ =	sfence.sel $0xFFFF  }
0xbe: {  	[dreg:$0x0] =	wrdreg $0xFFFFFFFF;
	(pc) =	sbr.abs _section_cstart, $3  }
0xbf: {  	[dreg:$0x1] =	wrdreg $0xFFFFFFFF  }
0xc0: {  	_ =	task.clear_ibuf [dreg:s6], $0x2FFFF;
	_ =	strace $0x9FFFFFFF  }
0xc1: {  	(tm) =	ssettm $0x7FFFFFFF  }
tec
execute0_lowered:
.L_overlay_start_1:
0x0: {  	(tag) =	ssettag $0x1  }
0x1: {  	s0 =	srdreg.scid  }
0x2: {  	s2 =	stileid.u32;
	s9 =	rddreg [dreg:$0x0]  }
0x3: {  	s1 =	simm.s32 $0x0;
	s12 =	simm.s32 $0x1DC00;
	s4 =	sand.u32 $0x1, s0  }
0x4: {  	s13 =	simm.s32 $0x1E800;
	s15 =	simm.s32 $0x13C00;
	s0 =	sor.u32 s2, s4  }
0x5: {  	s16 =	simm.s32 $0x0;
	p0 =	sne.s32 s2, $0x0;
	p1 =	seq.s32 s0, $0x0  }
0x6: {  	s3 =	smul.u32 $0x2780, s2;
	[smem:$0x7FF] =	sst s1;
	p1 =	por !p0, !p1  }
0x7: {  	s7 =	smul.u32 $0xA000, s2;
	s0 =	simm.s32 $0x1;
	p1 =	por !p1, !p1  }
0x8: {  	s2 =	sadd.s32 $0x6400, s9;
	s31 =	ssub.s32 $0x2, s4;
	s0 =	simm.s32 @!p1 $0x0  }
0x9: {  	s8 =	sadd.s32 s3, s9;
	s11 =	sshrl.u32 s31, $0x1;
	s6 =	ssub.s32 s4, s0  }
0xa: {  	s3 =	sadd.s32 $0x1400, s9;
	s11 =	ssub.s32 s31, s11;
	s5 =	smul.u32 $0xA0000, s6  }
0xb: {  	s11 =	smax.u32 s11, $0x1;
	s0 =	rddreg [dreg:$0x1];
	_ =	strace $0x8000004A  }
0xc: {  	s4 =	sadd.s32 $0xB400, s9;
	s14 =	smul.u32 $0x1388, s6;
	s5 =	sadd.s32 s7, s5  }
0xd: {  	s6 =	sadd.s32 $0x10400, s8;
	s8 =	sadd.s32 $0x6200, s9;
	s10 =	sshrl.u32 s5, $0x3  }
0xe: {  	s7 =	sadd.s32 $0xB200, s9;
	v0 =	vmov s14;
	s14 =	simm.s32 $0x1F400;
	s10 =	sadd.s32 s10, s9  }
0xf: {  	v1 =	vimm.f32 $0.0e+00;
	s5 =	simm.s32 $0x1;
	s9 =	sadd.s32 $0x10200, s9;
	s10 =	sadd.s32 $0x37C00, s10  }
.LBB2_1:
0x10: {  	[tilespmem:s1], [sflag:$0x1] =	stream.linear.gather [hbm4b:s6+s1], $0x13C00, $0x38;
	v63 =	vld [tilespmem:$0x0]  }
0x11: {  	_ =	swait.ge [sflag:s5], $0x13C00  }
0x12: {  	s17 =	sand.u32 $0x70, s1;
	s18 =	sand.u32 $0xFC00, s1;
	[sflag:s5] =	ssyncset.done $0x0  }
0x13: {  	s17 =	sor.u32 s17, s18;
	[sflag:s5] =	ssyncadd.s32 $0xFFFEC400  }
0x14: {  	s19 =	simm.s32 $0x0;
	s18 =	simm.s32 $0x10;
	[tilespmem:s17+$0x13C00] =	vst v1  }
.LBB2_2:
0x15: {  	p1 =	sne.s32 s18, $0x1380  }
.Ltmp0:
0x16: {  	_ = 	snop;
	(pc) =	sbr.rel @p1 .LBB2_2-.Ltmp0, $4  }
0x17: {  	s19 =	sadd.s32 $0x80, s19  }
0x18: {  	s17 =	sand.u32 $0x70, s18;
	s20 =	sand.u32 $0xFC00, s19  }
0x19: {  	s17 =	sor.u32 s17, s20  }
0x1a: {  	s18 =	sadd.s32 $0x10, s18;
	[tilespmem:s17+$0x13C00] =	vst v1;
	s17 =	simm.s32 $0x0  }
0x1b: {  	s18 =	sand.u32 $0x70, s17;
	s19 =	sand.u32 $0xFC00, s17  }
0x1c: {  	s18 =	sor.u32 s18, s19  }
0x1d: {  	s20 =	simm.s32 $0x0;
	s19 =	simm.s32 $0x10;
	[tilespmem:s18+$0x13C80] =	vst v1  }
.LBB2_4:
0x1e: {  	p1 =	sne.s32 s19, $0x1380  }
.Ltmp1:
0x1f: {  	_ = 	snop;
	(pc) =	sbr.rel @p1 .LBB2_4-.Ltmp1, $4  }
0x20: {  	s20 =	sadd.s32 $0x80, s20  }
0x21: {  	s21 =	sand.u32 $0x70, s19;
	s22 =	sand.u32 $0xFC00, s20  }
0x22: {  	s21 =	sor.u32 s21, s22  }
0x23: {  	s19 =	sadd.s32 $0x10, s19;
	[tilespmem:s21+$0x13C80] =	vst v1  }
0x24: {  	s19 =	simm.s32 $0x10;
	[tilespmem:s18+$0x13D00] =	vst v1  }
.LBB2_6:
0x25: {  	p1 =	sne.s32 s19, $0x1380  }
.Ltmp2:
0x26: {  	_ = 	snop;
	(pc) =	sbr.rel @p1 .LBB2_6-.Ltmp2, $4  }
0x27: {  	s17 =	sadd.s32 $0x80, s17  }
0x28: {  	s18 =	sand.u32 $0x70, s19;
	s20 =	sand.u32 $0xFC00, s17  }
0x29: {  	s18 =	sor.u32 s18, s20  }
0x2a: {  	s19 =	sadd.s32 $0x10, s19;
	[tilespmem:s18+$0x13D00] =	vst v1;
	s18 =	simm.s32 $0x0  }
0x2b: {  	s17 =	sand.u32 $0x70, s18;
	s19 =	sand.u32 $0xFC00, s18  }
0x2c: {  	s17 =	sor.u32 s17, s19  }
0x2d: {  	s20 =	simm.s32 $0x0;
	s19 =	simm.s32 $0x10;
	[tilespmem:s17+$0x13D80] =	vst v1  }
.LBB2_8:
0x2e: {  	p1 =	sne.s32 s19, $0x1380  }
.Ltmp3:
0x2f: {  	_ = 	snop;
	(pc) =	sbr.rel @p1 .LBB2_8-.Ltmp3, $4  }
0x30: {  	s20 =	sadd.s32 $0x80, s20  }
0x31: {  	s21 =	sand.u32 $0x70, s19;
	s22 =	sand.u32 $0xFC00, s20  }
0x32: {  	s21 =	sor.u32 s21, s22  }
0x33: {  	s19 =	sadd.s32 $0x10, s19;
	[tilespmem:s21+$0x13D80] =	vst v1  }
0x34: {  	s20 =	simm.s32 $0x10;
	[tilespmem:s17+$0x13E00] =	vst v1  }
.LBB2_10:
0x35: {  	p1 =	sne.s32 s20, $0x1380  }
.Ltmp4:
0x36: {  	_ = 	snop;
	(pc) =	sbr.rel @p1 .LBB2_10-.Ltmp4, $4  }
0x37: {  	s18 =	sadd.s32 $0x80, s18  }
0x38: {  	s17 =	sand.u32 $0x70, s20;
	s19 =	sand.u32 $0xFC00, s18  }
0x39: {  	s17 =	sor.u32 s17, s19  }
0x3a: {  	s20 =	sadd.s32 $0x10, s20;
	s19 =	simm.s32 $0x0;
	[tilespmem:s17+$0x13E00] =	vst v1  }
0x3b: {  	s17 =	sand.u32 $0x70, s19;
	s18 =	sand.u32 $0xFC00, s19  }
0x3c: {  	s17 =	sor.u32 s17, s18  }
0x3d: {  	s20 =	simm.s32 $0x0;
	s18 =	simm.s32 $0x10;
	[tilespmem:s17+$0x13E80] =	vst v1  }
.LBB2_12:
0x3e: {  	p1 =	sne.s32 s18, $0x1380  }
.Ltmp5:
0x3f: {  	_ = 	snop;
	(pc) =	sbr.rel @p1 .LBB2_12-.Ltmp5, $4  }
0x40: {  	s20 =	sadd.s32 $0x80, s20  }
0x41: {  	s21 =	sand.u32 $0x70, s18;
	s22 =	sand.u32 $0xFC00, s20  }
0x42: {  	s21 =	sor.u32 s21, s22  }
0x43: {  	s18 =	sadd.s32 $0x10, s18;
	[tilespmem:s21+$0x13E80] =	vst v1  }
0x44: {  	s18 =	simm.s32 $0x10;
	[tilespmem:s17+$0x13F00] =	vst v1  }
.LBB2_14:
0x45: {  	p1 =	sne.s32 s18, $0x1380  }
.Ltmp6:
0x46: {  	_ = 	snop;
	(pc) =	sbr.rel @p1 .LBB2_14-.Ltmp6, $4  }
0x47: {  	s19 =	sadd.s32 $0x80, s19  }
0x48: {  	s17 =	sand.u32 $0x70, s18;
	s20 =	sand.u32 $0xFC00, s19  }
0x49: {  	s17 =	sor.u32 s17, s20  }
0x4a: {  	s18 =	sadd.s32 $0x10, s18;
	[tilespmem:s17+$0x13F00] =	vst v1;
	s17 =	simm.s32 $0x0  }
0x4b: {  	s18 =	sand.u32 $0x7, s17  }
0x4c: {  	s18 =	sshll.u32 s18, $0x4  }
0x4d: {  	s18 =	sadd.s32 $0x0, s18  }
0x4e: {  	s19 =	sor.u32 $0x380, s18  }
0x4f: {  	s20 =	simm.s32 $0x0;
	s18 =	simm.s32 $0x10;
	[tilespmem:s19+$0x13C00] =	vst v1;
	s19 =	simm.s32 $0x1  }
.LBB2_16:
0x50: {  	s21 =	sand.u32 $0x7, s19;
	p1 =	sne.s32 s18, $0x1380;
	s18 =	sadd.s32 $0x10, s18  }
.Ltmp7:
0x51: {  	s20 =	sadd.s32 $0x80, s20;
	s21 =	sshll.u32 s21, $0x4;
	(pc) =	sbr.rel @p1 .LBB2_16-.Ltmp7, $4  }
0x52: {  	s21 =	sadd.s32 s21, s20  }
0x53: {  	s21 =	sor.u32 $0x380, s21  }
0x54: {  	[tilespmem:s21+$0x13C00] =	vst v1  }
0x55: {  	s19 =	sadd.s32 $0x1, s19  }
.LBB2_17:
0x56: {  	s18 =	smul.u32 $0x180, s17;
	_ =	sdelay $0x1  }
0x57: {  	s20 =	simm.s32 $0x0;
	s19 =	sadd.s32 s2, s18  }
0x58: {  	[tilespmem:s12], [sflag:$0x1] =	stream.linear.gather [hbm4b:s19+s20], $0xC00, $0x38;
	v63 =	vld [tilespmem:$0x0]  }
0x59: {  	_ =	swait.ge [sflag:s5], $0xC00  }
0x5a: {  	[sflag:s5] =	ssyncset.done $0x0  }
0x5b: {  	s30 =	sadd.s32 s3, s18;
	[sflag:s5] =	ssyncadd.s32 $0xFFFFF400  }
0x5c: {  	[tilespmem:s13], [sflag:$0x1] =	stream.linear.gather [hbm4b:s30+s20], $0xC00, $0x38;
	v63 =	vld [tilespmem:$0x0]  }
0x5d: {  	_ =	swait.ge [sflag:s5], $0xC00  }
0x5e: {  	[sflag:s5] =	ssyncset.done $0x0  }
0x5f: {  	s18 =	sadd.s32 s4, s18;
	[sflag:s5] =	ssyncadd.s32 $0xFFFFF400  }
0x60: {  	[tilespmem:s14], [sflag:$0x1] =	stream.linear.gather [hbm4b:s18+s20], $0xC00, $0x38;
	v63 =	vld [tilespmem:$0x0]  }
0x61: {  	_ =	swait.ge [sflag:s5], $0xC00  }
0x62: {  	[sflag:s5] =	ssyncset.done $0x0  }
0x63: {  	s31 =	simm.s32 $0x0;
	[sflag:s5] =	ssyncadd.s32 $0xFFFFF400  }
0x64: {  	v2 =	vld [tilespmem:s31+$0x1E800];
	_ =	sdelay $0x4  }
0x65: {  	v3 =	vshll.u32 v2, $0x3  }
0x66: {  	v4 =	vld [tilespmem:s31+$0x1DC00];
	v2 =	vand.u32 $0x7F, v2;
	v3 =	vand.u32 $0xFFFFFC00, v3  }
0x67: {  	v2 =	vor.u32 v2, v3;
	_ =	sdelay $0x3  }
0x68: {  	v6 =	vld [tilespmem:s31+$0x1F400];
	v3 =	vsub.s32 v4, v0  }
0x69: {  	vm0 =	vge.s32 v4, v0;
	vm1 =	vlt.s32 v3, $0x1388;
	v4 =	vshll.u32 v3, $0x3;
	v5 =	vld.idx.msk [tilespmem:v2+s1+$0x0], $0xffff  }
0x6a: {  	v3 =	vand.u32 $0x7F, v3;
	vm0 =	vmand vm0, vm1;
	v4 =	vand.u32 $0xFFFFFC00, v4  }
0x6b: {  	v3 =	vor.u32 v3, v4  }
0x6c: {  	v4 =	vor.u32 $0x80, v2;
	_ =	sdelay $0x1  }
0x6d: {  	v5 =	vmul.f32 v5, v6;
	_ =	sdelay $0x1  }
0x6e: {  	[tilespmem:v3+s15+$0x0] =	vst.idx.add.f32.msk vm0, v5  }
0x6f: {  	v4 =	vld.idx.msk [tilespmem:v4+s1+$0x0], $0xffff;
	_ =	sdelay $0x1  }
0x70: {  	v5 =	vor.u32 $0x80, v3  }
0x71: {  	v7 =	vor.u32 $0x100, v2;
	_ =	sdelay $0x1  }
0x72: {  	v4 =	vmul.f32 v4, v6;
	_ =	sdelay $0x1  }
0x73: {  	[tilespmem:v5+s15+$0x0] =	vst.idx.add.f32.msk vm0, v4  }
0x74: {  	v4 =	vld.idx.msk [tilespmem:v7+s1+$0x0], $0xffff;
	_ =	sdelay $0x1  }
0x75: {  	v5 =	vor.u32 $0x100, v3  }
0x76: {  	v59 =	vor.u32 $0x180, v2;
	_ =	sdelay $0x1  }
0x77: {  	v4 =	vmul.f32 v4, v6;
	_ =	sdelay $0x1  }
0x78: {  	[tilespmem:v5+s15+$0x0] =	vst.idx.add.f32.msk vm0, v4  }
0x79: {  	v4 =	vld.idx.msk [tilespmem:v59+s1+$0x0], $0xffff;
	_ =	sdelay $0x1  }
0x7a: {  	v5 =	vor.u32 $0x180, v3  }
0x7b: {  	v60 =	vor.u32 $0x200, v2;
	_ =	sdelay $0x1  }
0x7c: {  	v4 =	vmul.f32 v4, v6;
	_ =	sdelay $0x1  }
0x7d: {  	[tilespmem:v5+s15+$0x0] =	vst.idx.add.f32.msk vm0, v4  }
0x7e: {  	v4 =	vld.idx.msk [tilespmem:v60+s1+$0x0], $0xffff;
	_ =	sdelay $0x1  }
0x7f: {  	v5 =	vor.u32 $0x200, v3  }
0x80: {  	v61 =	vor.u32 $0x280, v2;
	_ =	sdelay $0x1  }
0x81: {  	v4 =	vmul.f32 v4, v6;
	_ =	sdelay $0x1  }
0x82: {  	[tilespmem:v5+s15+$0x0] =	vst.idx.add.f32.msk vm0, v4  }
0x83: {  	v4 =	vld.idx.msk [tilespmem:v61+s1+$0x0], $0xffff;
	_ =	sdelay $0x1  }
0x84: {  	v5 =	vor.u32 $0x280, v3  }
0x85: {  	v62 =	vor.u32 $0x300, v2;
	_ =	sdelay $0x1  }
0x86: {  	v4 =	vmul.f32 v4, v6;
	_ =	sdelay $0x1  }
0x87: {  	[tilespmem:v5+s15+$0x0] =	vst.idx.add.f32.msk vm0, v4  }
0x88: {  	v4 =	vld.idx.msk [tilespmem:v62+s1+$0x0], $0xffff;
	_ =	sdelay $0x1  }
0x89: {  	v5 =	vor.u32 $0x300, v3  }
0x8a: {  	v2 =	vor.u32 $0x380, v2;
	_ =	sdelay $0x1  }
0x8b: {  	v4 =	vmul.f32 v4, v6;
	_ =	sdelay $0x1  }
0x8c: {  	[tilespmem:v5+s15+$0x0] =	vst.idx.add.f32.msk vm0, v4  }
0x8d: {  	v4 =	vld.idx.msk [tilespmem:v2+s1+$0x0], $0xffff;
	_ =	sdelay $0x1  }
0x8e: {  	v2 =	vor.u32 $0x380, v3;
	_ =	sdelay $0x2  }
0x8f: {  	s19 =	simm.s32 $0x80;
	s18 =	simm.s32 $0x40;
	v3 =	vmul.f32 v4, v6  }
.LBB2_18:
0x90: {  	p1 =	sne.s32 s19, $0x2FC0  }
0x91: {  	s20 =	sshra.s32 s18, $0x2;
	s18 =	smov.u32 s19;
	s19 =	sadd.s32 $0x40, s19;
	[tilespmem:v2+s15+$0x0] =	vst.idx.add.f32.msk vm0, v3  }
0x92: {  	v2 =	vld [tilespmem:s20+$0x1E800];
	_ =	sdelay $0x4  }
0x93: {  	v3 =	vshll.u32 v2, $0x3  }
0x94: {  	v2 =	vand.u32 $0x7F, v2;
	v3 =	vand.u32 $0xFFFFFC00, v3  }
0x95: {  	v4 =	vld [tilespmem:s20+$0x1DC00];
	v2 =	vor.u32 v2, v3;
	_ =	sdelay $0x4  }
0x96: {  	v3 =	vsub.s32 v4, v0;
	v5 =	vld.idx.msk [tilespmem:v2+s1+$0x0], $0xffff  }
0x97: {  	vm0 =	vge.s32 v4, v0;
	v6 =	vld [tilespmem:s20+$0x1F400];
	vm1 =	vlt.s32 v3, $0x1388;
	v4 =	vshll.u32 v3, $0x3  }
0x98: {  	v3 =	vand.u32 $0x7F, v3;
	vm0 =	vmand vm0, vm1;
	v4 =	vand.u32 $0xFFFFFC00, v4  }
0x99: {  	v3 =	vor.u32 v3, v4  }
0x9a: {  	v4 =	vor.u32 $0x80, v2;
	_ =	sdelay $0x1  }
0x9b: {  	v5 =	vmul.f32 v5, v6;
	_ =	sdelay $0x1  }
0x9c: {  	[tilespmem:v3+s15+$0x0] =	vst.idx.add.f32.msk vm0, v5  }
0x9d: {  	v4 =	vld.idx.msk [tilespmem:v4+s1+$0x0], $0xffff;
	_ =	sdelay $0x2  }
0x9e: {  	v5 =	vor.u32 $0x80, v3  }
0x9f: {  	v7 =	vor.u32 $0x100, v2;
	_ =	sdelay $0x1  }
0xa0: {  	v4 =	vmul.f32 v4, v6;
	_ =	sdelay $0x1  }
0xa1: {  	[tilespmem:v5+s15+$0x0] =	vst.idx.add.f32.msk vm0, v4  }
0xa2: {  	v4 =	vld.idx.msk [tilespmem:v7+s1+$0x0], $0xffff;
	_ =	sdelay $0x2  }
0xa3: {  	v5 =	vor.u32 $0x100, v3  }
0xa4: {  	v7 =	vor.u32 $0x180, v2;
	_ =	sdelay $0x1  }
0xa5: {  	v4 =	vmul.f32 v4, v6;
	_ =	sdelay $0x1  }
0xa6: {  	[tilespmem:v5+s15+$0x0] =	vst.idx.add.f32.msk vm0, v4  }
0xa7: {  	v4 =	vld.idx.msk [tilespmem:v7+s1+$0x0], $0xffff;
	_ =	sdelay $0x2  }
0xa8: {  	v5 =	vor.u32 $0x180, v3  }
0xa9: {  	v7 =	vor.u32 $0x200, v2;
	_ =	sdelay $0x1  }
0xaa: {  	v4 =	vmul.f32 v4, v6;
	_ =	sdelay $0x1  }
0xab: {  	[tilespmem:v5+s15+$0x0] =	vst.idx.add.f32.msk vm0, v4  }
0xac: {  	v4 =	vld.idx.msk [tilespmem:v7+s1+$0x0], $0xffff;
	_ =	sdelay $0x2  }
0xad: {  	v5 =	vor.u32 $0x200, v3  }
0xae: {  	v7 =	vor.u32 $0x280, v2;
	_ =	sdelay $0x1  }
0xaf: {  	v4 =	vmul.f32 v4, v6;
	_ =	sdelay $0x1  }
0xb0: {  	[tilespmem:v5+s15+$0x0] =	vst.idx.add.f32.msk vm0, v4  }
0xb1: {  	v4 =	vld.idx.msk [tilespmem:v7+s1+$0x0], $0xffff;
	_ =	sdelay $0x2  }
0xb2: {  	v5 =	vor.u32 $0x280, v3  }
0xb3: {  	v7 =	vor.u32 $0x300, v2;
	_ =	sdelay $0x1  }
0xb4: {  	v4 =	vmul.f32 v4, v6;
	_ =	sdelay $0x1  }
0xb5: {  	[tilespmem:v5+s15+$0x0] =	vst.idx.add.f32.msk vm0, v4  }
0xb6: {  	v4 =	vld.idx.msk [tilespmem:v7+s1+$0x0], $0xffff;
	_ =	sdelay $0x2  }
0xb7: {  	v5 =	vor.u32 $0x300, v3  }
0xb8: {  	v2 =	vor.u32 $0x380, v2;
	_ =	sdelay $0x1  }
0xb9: {  	v4 =	vmul.f32 v4, v6;
	_ =	sdelay $0x1  }
0xba: {  	[tilespmem:v5+s15+$0x0] =	vst.idx.add.f32.msk vm0, v4  }
0xbb: {  	v4 =	vld.idx.msk [tilespmem:v2+s1+$0x0], $0xffff;
	_ =	sdelay $0x1  }
.Ltmp8:
0xbc: {  	(pc) =	sbr.rel @p1 .LBB2_18-.Ltmp8, $2  }
0xbd: {  	v2 =	vor.u32 $0x380, v3;
	_ =	sdelay $0x2  }
0xbe: {  	v3 =	vmul.f32 v4, v6  }
0xbf: {  	_ =	sdelay $0x4  }
0xc0: {  	s18 =	sshra.s32 s18, $0x2;
	[tilespmem:v2+s15+$0x0] =	vst.idx.add.f32.msk vm0, v3  }
0xc1: {  	v2 =	vld [tilespmem:s18+$0x1E800];
	_ =	sdelay $0x4  }
0xc2: {  	v3 =	vshll.u32 v2, $0x3  }
0xc3: {  	v4 =	vld [tilespmem:s18+$0x1DC00];
	v2 =	vand.u32 $0x7F, v2;
	v3 =	vand.u32 $0xFFFFFC00, v3  }
0xc4: {  	v2 =	vor.u32 v2, v3;
	_ =	sdelay $0x3  }
0xc5: {  	v6 =	vld [tilespmem:s18+$0x1F400];
	v3 =	vsub.s32 v4, v0  }
0xc6: {  	vm15 =	vge.s32 v4, v0;
	vm1 =	vlt.s32 v3, $0x1388;
	v51 =	vshll.u32 v3, $0x3;
	v5 =	vld.idx.msk [tilespmem:v2+s1+$0x0], $0xffff  }
0xc7: {  	v3 =	vand.u32 $0x7F, v3;
	vm0 =	vmand vm15, vm1;
	v4 =	vand.u32 $0xFFFFFC00, v51  }
0xc8: {  	v3 =	vor.u32 v3, v4  }
0xc9: {  	v52 =	vor.u32 $0x80, v2;
	_ =	sdelay $0x1  }
0xca: {  	v5 =	vmul.f32 v5, v6;
	_ =	sdelay $0x1  }
0xcb: {  	[tilespmem:v3+s15+$0x0] =	vst.idx.add.f32.msk vm0, v5  }
0xcc: {  	v4 =	vld.idx.msk [tilespmem:v52+s1+$0x0], $0xffff;
	_ =	sdelay $0x1  }
0xcd: {  	v53 =	vor.u32 $0x80, v3  }
0xce: {  	v7 =	vor.u32 $0x100, v2;
	_ =	sdelay $0x1  }
0xcf: {  	v4 =	vmul.f32 v4, v6;
	_ =	sdelay $0x1  }
0xd0: {  	[tilespmem:v53+s15+$0x0] =	vst.idx.add.f32.msk vm0, v4  }
0xd1: {  	v4 =	vld.idx.msk [tilespmem:v7+s1+$0x0], $0xffff;
	_ =	sdelay $0x1  }
0xd2: {  	v54 =	vor.u32 $0x100, v3  }
0xd3: {  	v55 =	vor.u32 $0x180, v2;
	_ =	sdelay $0x1  }
0xd4: {  	v4 =	vmul.f32 v4, v6;
	_ =	sdelay $0x1  }
0xd5: {  	[tilespmem:v54+s15+$0x0] =	vst.idx.add.f32.msk vm0, v4  }
0xd6: {  	v4 =	vld.idx.msk [tilespmem:v55+s1+$0x0], $0xffff;
	_ =	sdelay $0x1  }
0xd7: {  	v56 =	vor.u32 $0x180, v3  }
0xd8: {  	v57 =	vor.u32 $0x200, v2;
	_ =	sdelay $0x1  }
0xd9: {  	v4 =	vmul.f32 v4, v6;
	_ =	sdelay $0x1  }
0xda: {  	[tilespmem:v56+s15+$0x0] =	vst.idx.add.f32.msk vm0, v4  }
0xdb: {  	v4 =	vld.idx.msk [tilespmem:v57+s1+$0x0], $0xffff;
	_ =	sdelay $0x1  }
0xdc: {  	v58 =	vor.u32 $0x200, v3  }
0xdd: {  	v59 =	vor.u32 $0x280, v2;
	_ =	sdelay $0x1  }
0xde: {  	v4 =	vmul.f32 v4, v6;
	_ =	sdelay $0x1  }
0xdf: {  	[tilespmem:v58+s15+$0x0] =	vst.idx.add.f32.msk vm0, v4  }
0xe0: {  	v4 =	vld.idx.msk [tilespmem:v59+s1+$0x0], $0xffff;
	_ =	sdelay $0x1  }
0xe1: {  	v60 =	vor.u32 $0x280, v3  }
0xe2: {  	v61 =	vor.u32 $0x300, v2;
	_ =	sdelay $0x1  }
0xe3: {  	v4 =	vmul.f32 v4, v6;
	_ =	sdelay $0x1  }
0xe4: {  	[tilespmem:v60+s15+$0x0] =	vst.idx.add.f32.msk vm0, v4  }
0xe5: {  	v4 =	vld.idx.msk [tilespmem:v61+s1+$0x0], $0xffff;
	_ =	sdelay $0x1  }
0xe6: {  	v62 =	vor.u32 $0x300, v3  }
0xe7: {  	v2 =	vor.u32 $0x380, v2;
	_ =	sdelay $0x1  }
0xe8: {  	v4 =	vmul.f32 v4, v6;
	_ =	sdelay $0x1  }
0xe9: {  	[tilespmem:v62+s15+$0x0] =	vst.idx.add.f32.msk vm0, v4  }
0xea: {  	v2 =	vld.idx.msk [tilespmem:v2+s1+$0x0], $0xffff  }
0xeb: {  	s17 =	sadd.s32 $0x1, s17  }
0xec: {  	p1 =	sne.s32 s17, $0x34;
	v3 =	vor.u32 $0x380, v3  }
.Ltmp9:
0xed: {  	_ = 	snop;
	(pc) =	sbr.rel @p1 .LBB2_17-.Ltmp9, $3  }
0xee: {  	_ = 	snop  }
0xef: {  	v2 =	vmul.f32 v2, v6;
	_ =	sdelay $0x1  }
0xf0: {  	[tilespmem:v3+s15+$0x0] =	vst.idx.add.f32.msk vm0, v2  }
0xf1: {  	s17 =	simm.s32 $0x0  }
0xf2: {  	[tilespmem:s12], [sflag:$0x1] =	stream.linear.gather [hbm4b:s7+s17], $0x100, $0x38;
	v63 =	vld [tilespmem:$0x0]  }
0xf3: {  	_ =	swait.ge [sflag:s5], $0x100  }
0xf4: {  	[sflag:s5] =	ssyncset.done $0x0  }
0xf5: {  	[sflag:s5] =	ssyncadd.s32 $0xFFFFFF00  }
0xf6: {  	[tilespmem:s13], [sflag:$0x1] =	stream.linear.gather [hbm4b:s8+s17], $0x100, $0x38;
	v63 =	vld [tilespmem:$0x0]  }
0xf7: {  	_ =	swait.ge [sflag:s5], $0x100  }
0xf8: {  	[sflag:s5] =	ssyncset.done $0x0  }
0xf9: {  	[sflag:s5] =	ssyncadd.s32 $0xFFFFFF00  }
0xfa: {  	[tilespmem:s14], [sflag:$0x1] =	stream.linear.gather [hbm4b:s9+s17], $0x100, $0x38;
	v63 =	vld [tilespmem:$0x0]  }
0xfb: {  	_ =	swait.ge [sflag:s5], $0x100  }
0xfc: {  	[sflag:s5] =	ssyncset.done $0x0  }
0xfd: {  	s31 =	simm.s32 $0x0;
	[sflag:s5] =	ssyncadd.s32 $0xFFFFFF00  }
0xfe: {  	v2 =	vld [tilespmem:s31+$0x1E800];
	_ =	sdelay $0x4  }
0xff: {  	v3 =	vshll.u32 v2, $0x3  }
0x100: {  	v4 =	vld [tilespmem:s31+$0x1DC00];
	v2 =	vand.u32 $0x7F, v2;
	v3 =	vand.u32 $0xFFFFFC00, v3  }
0x101: {  	v2 =	vor.u32 v2, v3;
	_ =	sdelay $0x3  }
0x102: {  	v6 =	vld [tilespmem:s31+$0x1F400];
	v3 =	vsub.s32 v4, v0  }
0x103: {  	vm0 =	vge.s32 v4, v0;
	vm1 =	vlt.s32 v3, $0x1388;
	v4 =	vshll.u32 v3, $0x3;
	v5 =	vld.idx.msk [tilespmem:v2+s1+$0x0], $0xffff  }
0x104: {  	v3 =	vand.u32 $0x7F, v3;
	vm0 =	vmand vm0, vm1;
	v4 =	vand.u32 $0xFFFFFC00, v4  }
0x105: {  	v3 =	vor.u32 v3, v4  }
0x106: {  	v4 =	vor.u32 $0x80, v2;
	_ =	sdelay $0x1  }
0x107: {  	v5 =	vmul.f32 v5, v6;
	_ =	sdelay $0x1  }
0x108: {  	[tilespmem:v3+s15+$0x0] =	vst.idx.add.f32.msk vm0, v5  }
0x109: {  	v4 =	vld.idx.msk [tilespmem:v4+s1+$0x0], $0xffff;
	_ =	sdelay $0x1  }
0x10a: {  	v5 =	vor.u32 $0x80, v3  }
0x10b: {  	v7 =	vor.u32 $0x100, v2;
	_ =	sdelay $0x1  }
0x10c: {  	v4 =	vmul.f32 v4, v6;
	_ =	sdelay $0x1  }
0x10d: {  	[tilespmem:v5+s15+$0x0] =	vst.idx.add.f32.msk vm0, v4  }
0x10e: {  	v4 =	vld.idx.msk [tilespmem:v7+s1+$0x0], $0xffff;
	_ =	sdelay $0x1  }
0x10f: {  	v5 =	vor.u32 $0x100, v3  }
0x110: {  	v59 =	vor.u32 $0x180, v2;
	_ =	sdelay $0x1  }
0x111: {  	v4 =	vmul.f32 v4, v6;
	_ =	sdelay $0x1  }
0x112: {  	[tilespmem:v5+s15+$0x0] =	vst.idx.add.f32.msk vm0, v4  }
0x113: {  	v4 =	vld.idx.msk [tilespmem:v59+s1+$0x0], $0xffff;
	_ =	sdelay $0x1  }
0x114: {  	v5 =	vor.u32 $0x180, v3  }
0x115: {  	v60 =	vor.u32 $0x200, v2;
	_ =	sdelay $0x1  }
0x116: {  	v4 =	vmul.f32 v4, v6;
	_ =	sdelay $0x1  }
0x117: {  	[tilespmem:v5+s15+$0x0] =	vst.idx.add.f32.msk vm0, v4  }
0x118: {  	v4 =	vld.idx.msk [tilespmem:v60+s1+$0x0], $0xffff;
	_ =	sdelay $0x1  }
0x119: {  	v5 =	vor.u32 $0x200, v3  }
0x11a: {  	v61 =	vor.u32 $0x280, v2;
	_ =	sdelay $0x1  }
0x11b: {  	v4 =	vmul.f32 v4, v6;
	_ =	sdelay $0x1  }
0x11c: {  	[tilespmem:v5+s15+$0x0] =	vst.idx.add.f32.msk vm0, v4  }
0x11d: {  	v4 =	vld.idx.msk [tilespmem:v61+s1+$0x0], $0xffff;
	_ =	sdelay $0x1  }
0x11e: {  	v5 =	vor.u32 $0x280, v3  }
0x11f: {  	v62 =	vor.u32 $0x300, v2;
	_ =	sdelay $0x1  }
0x120: {  	v4 =	vmul.f32 v4, v6;
	_ =	sdelay $0x1  }
0x121: {  	[tilespmem:v5+s15+$0x0] =	vst.idx.add.f32.msk vm0, v4  }
0x122: {  	v4 =	vld.idx.msk [tilespmem:v62+s1+$0x0], $0xffff;
	_ =	sdelay $0x1  }
0x123: {  	v5 =	vor.u32 $0x300, v3  }
0x124: {  	v2 =	vor.u32 $0x380, v2;
	_ =	sdelay $0x1  }
0x125: {  	v4 =	vmul.f32 v4, v6;
	_ =	sdelay $0x1  }
0x126: {  	[tilespmem:v5+s15+$0x0] =	vst.idx.add.f32.msk vm0, v4  }
0x127: {  	v4 =	vld.idx.msk [tilespmem:v2+s1+$0x0], $0xffff;
	_ =	sdelay $0x1  }
0x128: {  	v2 =	vor.u32 $0x380, v3;
	_ =	sdelay $0x2  }
0x129: {  	s18 =	simm.s32 $0x80;
	s17 =	simm.s32 $0x40;
	v3 =	vmul.f32 v4, v6  }
.LBB2_21:
0x12a: {  	p1 =	sne.s32 s18, $0x3C0  }
0x12b: {  	s19 =	sshra.s32 s17, $0x2;
	s17 =	smov.u32 s18;
	s18 =	sadd.s32 $0x40, s18;
	[tilespmem:v2+s15+$0x0] =	vst.idx.add.f32.msk vm0, v3  }
0x12c: {  	v2 =	vld [tilespmem:s19+$0x1E800];
	_ =	sdelay $0x4  }
0x12d: {  	v3 =	vshll.u32 v2, $0x3  }
0x12e: {  	v2 =	vand.u32 $0x7F, v2;
	v3 =	vand.u32 $0xFFFFFC00, v3  }
0x12f: {  	v4 =	vld [tilespmem:s19+$0x1DC00];
	v2 =	vor.u32 v2, v3;
	_ =	sdelay $0x4  }
0x130: {  	v3 =	vsub.s32 v4, v0;
	v5 =	vld.idx.msk [tilespmem:v2+s1+$0x0], $0xffff  }
0x131: {  	vm0 =	vge.s32 v4, v0;
	v6 =	vld [tilespmem:s19+$0x1F400];
	vm1 =	vlt.s32 v3, $0x1388;
	v4 =	vshll.u32 v3, $0x3  }
0x132: {  	v3 =	vand.u32 $0x7F, v3;
	vm0 =	vmand vm0, vm1;
	v4 =	vand.u32 $0xFFFFFC00, v4  }
0x133: {  	v3 =	vor.u32 v3, v4  }
0x134: {  	v4 =	vor.u32 $0x80, v2;
	_ =	sdelay $0x1  }
0x135: {  	v5 =	vmul.f32 v5, v6;
	_ =	sdelay $0x1  }
0x136: {  	[tilespmem:v3+s15+$0x0] =	vst.idx.add.f32.msk vm0, v5  }
0x137: {  	v4 =	vld.idx.msk [tilespmem:v4+s1+$0x0], $0xffff;
	_ =	sdelay $0x2  }
0x138: {  	v5 =	vor.u32 $0x80, v3  }
0x139: {  	v7 =	vor.u32 $0x100, v2;
	_ =	sdelay $0x1  }
0x13a: {  	v4 =	vmul.f32 v4, v6;
	_ =	sdelay $0x1  }
0x13b: {  	[tilespmem:v5+s15+$0x0] =	vst.idx.add.f32.msk vm0, v4  }
0x13c: {  	v4 =	vld.idx.msk [tilespmem:v7+s1+$0x0], $0xffff;
	_ =	sdelay $0x2  }
0x13d: {  	v5 =	vor.u32 $0x100, v3  }
0x13e: {  	v7 =	vor.u32 $0x180, v2;
	_ =	sdelay $0x1  }
0x13f: {  	v4 =	vmul.f32 v4, v6;
	_ =	sdelay $0x1  }
0x140: {  	[tilespmem:v5+s15+$0x0] =	vst.idx.add.f32.msk vm0, v4  }
0x141: {  	v4 =	vld.idx.msk [tilespmem:v7+s1+$0x0], $0xffff;
	_ =	sdelay $0x2  }
0x142: {  	v5 =	vor.u32 $0x180, v3  }
0x143: {  	v7 =	vor.u32 $0x200, v2;
	_ =	sdelay $0x1  }
0x144: {  	v4 =	vmul.f32 v4, v6;
	_ =	sdelay $0x1  }
0x145: {  	[tilespmem:v5+s15+$0x0] =	vst.idx.add.f32.msk vm0, v4  }
0x146: {  	v4 =	vld.idx.msk [tilespmem:v7+s1+$0x0], $0xffff;
	_ =	sdelay $0x2  }
0x147: {  	v5 =	vor.u32 $0x200, v3  }
0x148: {  	v7 =	vor.u32 $0x280, v2;
	_ =	sdelay $0x1  }
0x149: {  	v4 =	vmul.f32 v4, v6;
	_ =	sdelay $0x1  }
0x14a: {  	[tilespmem:v5+s15+$0x0] =	vst.idx.add.f32.msk vm0, v4  }
0x14b: {  	v4 =	vld.idx.msk [tilespmem:v7+s1+$0x0], $0xffff;
	_ =	sdelay $0x2  }
0x14c: {  	v5 =	vor.u32 $0x280, v3  }
0x14d: {  	v7 =	vor.u32 $0x300, v2;
	_ =	sdelay $0x1  }
0x14e: {  	v4 =	vmul.f32 v4, v6;
	_ =	sdelay $0x1  }
0x14f: {  	[tilespmem:v5+s15+$0x0] =	vst.idx.add.f32.msk vm0, v4  }
0x150: {  	v4 =	vld.idx.msk [tilespmem:v7+s1+$0x0], $0xffff;
	_ =	sdelay $0x2  }
0x151: {  	v5 =	vor.u32 $0x300, v3  }
0x152: {  	v2 =	vor.u32 $0x380, v2;
	_ =	sdelay $0x1  }
0x153: {  	v4 =	vmul.f32 v4, v6;
	_ =	sdelay $0x1  }
0x154: {  	[tilespmem:v5+s15+$0x0] =	vst.idx.add.f32.msk vm0, v4  }
0x155: {  	v4 =	vld.idx.msk [tilespmem:v2+s1+$0x0], $0xffff;
	_ =	sdelay $0x1  }
.Ltmp10:
0x156: {  	(pc) =	sbr.rel @p1 .LBB2_21-.Ltmp10, $2  }
0x157: {  	v2 =	vor.u32 $0x380, v3;
	_ =	sdelay $0x2  }
0x158: {  	v3 =	vmul.f32 v4, v6  }
0x159: {  	_ =	sdelay $0x4  }
0x15a: {  	s17 =	sshra.s32 s17, $0x2;
	[tilespmem:v2+s15+$0x0] =	vst.idx.add.f32.msk vm0, v3  }
0x15b: {  	v2 =	vld [tilespmem:s17+$0x1E800];
	_ =	sdelay $0x4  }
0x15c: {  	v3 =	vshll.u32 v2, $0x3  }
0x15d: {  	v4 =	vld [tilespmem:s17+$0x1DC00];
	v2 =	vand.u32 $0x7F, v2;
	v3 =	vand.u32 $0xFFFFFC00, v3  }
0x15e: {  	v2 =	vor.u32 v2, v3;
	_ =	sdelay $0x3  }
0x15f: {  	v6 =	vld [tilespmem:s17+$0x1F400];
	v3 =	vsub.s32 v4, v0  }
0x160: {  	vm15 =	vge.s32 v4, v0;
	vm1 =	vlt.s32 v3, $0x1388;
	v51 =	vshll.u32 v3, $0x3;
	v5 =	vld.idx.msk [tilespmem:v2+s1+$0x0], $0xffff  }
0x161: {  	v3 =	vand.u32 $0x7F, v3;
	vm0 =	vmand vm15, vm1;
	v4 =	vand.u32 $0xFFFFFC00, v51  }
0x162: {  	v3 =	vor.u32 v3, v4  }
0x163: {  	v52 =	vor.u32 $0x80, v2;
	_ =	sdelay $0x1  }
0x164: {  	v5 =	vmul.f32 v5, v6;
	_ =	sdelay $0x1  }
0x165: {  	[tilespmem:v3+s15+$0x0] =	vst.idx.add.f32.msk vm0, v5  }
0x166: {  	v4 =	vld.idx.msk [tilespmem:v52+s1+$0x0], $0xffff;
	_ =	sdelay $0x1  }
0x167: {  	v53 =	vor.u32 $0x80, v3  }
0x168: {  	v7 =	vor.u32 $0x100, v2;
	_ =	sdelay $0x1  }
0x169: {  	v4 =	vmul.f32 v4, v6;
	_ =	sdelay $0x1  }
0x16a: {  	[tilespmem:v53+s15+$0x0] =	vst.idx.add.f32.msk vm0, v4  }
0x16b: {  	v4 =	vld.idx.msk [tilespmem:v7+s1+$0x0], $0xffff;
	_ =	sdelay $0x1  }
0x16c: {  	v54 =	vor.u32 $0x100, v3  }
0x16d: {  	v55 =	vor.u32 $0x180, v2;
	_ =	sdelay $0x1  }
0x16e: {  	v4 =	vmul.f32 v4, v6;
	_ =	sdelay $0x1  }
0x16f: {  	[tilespmem:v54+s15+$0x0] =	vst.idx.add.f32.msk vm0, v4  }
0x170: {  	v4 =	vld.idx.msk [tilespmem:v55+s1+$0x0], $0xffff;
	_ =	sdelay $0x1  }
0x171: {  	v56 =	vor.u32 $0x180, v3  }
0x172: {  	v57 =	vor.u32 $0x200, v2;
	_ =	sdelay $0x1  }
0x173: {  	v4 =	vmul.f32 v4, v6;
	_ =	sdelay $0x1  }
0x174: {  	[tilespmem:v56+s15+$0x0] =	vst.idx.add.f32.msk vm0, v4  }
0x175: {  	v4 =	vld.idx.msk [tilespmem:v57+s1+$0x0], $0xffff;
	_ =	sdelay $0x1  }
0x176: {  	v58 =	vor.u32 $0x200, v3  }
0x177: {  	v59 =	vor.u32 $0x280, v2;
	_ =	sdelay $0x1  }
0x178: {  	v4 =	vmul.f32 v4, v6;
	_ =	sdelay $0x1  }
0x179: {  	[tilespmem:v58+s15+$0x0] =	vst.idx.add.f32.msk vm0, v4  }
0x17a: {  	v4 =	vld.idx.msk [tilespmem:v59+s1+$0x0], $0xffff;
	_ =	sdelay $0x1  }
0x17b: {  	v60 =	vor.u32 $0x280, v3  }
0x17c: {  	v61 =	vor.u32 $0x300, v2;
	_ =	sdelay $0x1  }
0x17d: {  	v4 =	vmul.f32 v4, v6;
	_ =	sdelay $0x1  }
0x17e: {  	[tilespmem:v60+s15+$0x0] =	vst.idx.add.f32.msk vm0, v4  }
0x17f: {  	v4 =	vld.idx.msk [tilespmem:v61+s1+$0x0], $0xffff;
	_ =	sdelay $0x1  }
0x180: {  	v62 =	vor.u32 $0x300, v3  }
0x181: {  	v2 =	vor.u32 $0x380, v2;
	_ =	sdelay $0x1  }
0x182: {  	v4 =	vmul.f32 v4, v6;
	_ =	sdelay $0x1  }
0x183: {  	[tilespmem:v62+s15+$0x0] =	vst.idx.add.f32.msk vm0, v4  }
0x184: {  	v2 =	vld.idx.msk [tilespmem:v2+s1+$0x0], $0xffff;
	_ =	sdelay $0x1  }
0x185: {  	v3 =	vor.u32 $0x380, v3;
	_ =	sdelay $0x2  }
0x186: {  	s16 =	sadd.s32 $0x1, s16;
	v2 =	vmul.f32 v2, v6  }
0x187: {  	p1 =	sne.s32 s16, s11  }
.Ltmp11:
0x188: {  	[tilespmem:v3+s15+$0x0] =	vst.idx.add.f32.msk vm0, v2;
	(pc) =	sbr.rel @p1 .LBB2_1-.Ltmp11, $4  }
0x189: {  	[hbm4b:s10+s1] =	stream.linear.scatter [tilespmem:s15], [sflag:$0x1], $0xA000, $0x38;
	v63 =	vld [tilespmem:$0x0]  }
0x18a: {  	_ =	swait.ge [sflag:s5], $0xA000  }
0x18b: {  	[sflag:s5] =	ssyncset.done $0x0  }
0x18c: {  	[sflag:s5] =	ssyncadd.s32 $0xFFFF6000  }
0x18d: {  	_ =	sfence.sel $0x180000  }
0x18e: {  	[bflag:$0x0] =	sbarrier.arrive $0xFFFF  }
0x18f: {  	_ =	strace $0x9000004A  }
0x190: {  	s0 =	sadd.s32 @!p0 $0x100000, s0;
	[bflag:$0x2] =	sbarrier.arrive $0xFFFF  }
0x191: {  	[sflag:s0] =	ssyncadd.tile.s32 @!p0 $0x1;
	_ =	shalt  }
.Lfunc_end2:
_tile_overlayer_lowered:
.L_overlay_start_2:
0x192: {  	(tag) =	ssettag $0x2  }
0x193: {  	s0 =	rddreg [dreg:$0x0];
	s2 =	stileid.u32  }
0x194: {  	s1 =	rddreg [dreg:$0x1];
	p0 =	sne.s32 s2, $0x0  }
0x195: {  	s3 =	rddreg [dreg:$0x2];
	[bflag:$0x3] =	sbarrier.arrive $0xFFFF;
	s2 =	simm.s32 @!p0 $0x1C01  }
0x196: {  	[timem:s3], [sflag:s2] =	dma.local @!p0 [hbm:s0], s1  }
0x197: {  	s0 =	simm.s32 @!p0 $0x1  }
0x198: {  	_ =	swait.ge @!p0 [sflag:s0], s1  }
0x199: {  	s1 =	ssub.s32 @!p0 $0x0, s1;
	[sflag:s0] =	ssyncset.done @!p0 $0x0  }
0x19a: {  	[sflag:s0] =	ssyncadd.s32 @!p0 s1  }
0x19b: {  	[bflag:$0x3] =	sbarrier.arrive $0xFFFF  }
0x19c: {  	_ =	shalt  }

</sc_bundles>
